<compile_context>
chip_gen: v7x
topology: tpu7x:2x2x1
jax: 0.10.2.dev20260603
libtpu: 0.0.44.dev20260713+nightly
codegen_flags: <defaults>
</compile_context>

<pallas_src>
import dataclasses
import functools

import jax
import jax.numpy as jnp
from jax import lax
from jax.experimental import pallas as pl
from jax.experimental.pallas import tpu as pltpu
from jax.experimental.pallas import tpu_sc as plsc

N_BUF = 32768
CHUNK = 2048
NUM_WORKERS = 32
SLICE = N_BUF // NUM_WORKERS
LANES = 16


def _mesh():
    return plsc.VectorSubcoreMesh(core_axis_name="c", subcore_axis_name="s")


def _compiler_params():
    cp = pltpu.CompilerParams()
    if "needs_layout_passes" in pltpu.CompilerParams.__dataclass_fields__:
        cp = dataclasses.replace(cp, needs_layout_passes=False)
    return cp


def _sched_body(nt_hbm, ns_hbm, gt_hbm, gs_hbm, qt_hbm, qs_hbm, scal_hbm,
                ogt_hbm, ogs_hbm, oqt_hbm, oqs_hbm,
                scal_v, src_t_v, src_s_v, b0, b1, b2, b3,
                sem_scal, sem_src, sem_in, sem_out):
    cid = lax.axis_index("c")
    sid = lax.axis_index("s")
    wid = sid * 2 + cid
    base = pl.multiple_of(wid * SLICE, SLICE)
    sl = pl.ds(base, SLICE)
    bufs = (b0, b1, b2, b3)

    dests = (gt_hbm, gs_hbm, qt_hbm, qs_hbm)
    outs = (ogt_hbm, ogs_hbm, oqt_hbm, oqs_hbm)

    scal_load = pltpu.make_async_copy(scal_hbm, scal_v, sem_scal)
    loads = [pltpu.make_async_copy(dests[a].at[sl], bufs[a], sem_in.at[a])
             for a in range(4)]
    src_loads = [
        pltpu.make_async_copy(nt_hbm, src_t_v.at[pl.ds(SLICE, CHUNK)],
                              sem_src.at[0]),
        pltpu.make_async_copy(ns_hbm, src_s_v.at[pl.ds(SLICE, CHUNK)],
                              sem_src.at[1]),
    ]
    stores = [pltpu.make_async_copy(bufs[a], outs[a].at[sl], sem_out.at[a])
              for a in range(4)]

    scal_load.start()
    for c in loads:
        c.start()

    scal_load.wait()
    svec = scal_v[...]
    lane = lax.iota(jnp.int32, LANES)
    nmin = jnp.full((LANES,), jnp.int32(-(2**31)), jnp.int32)

    def _extract(k):
        return jnp.max(jnp.where(lane == k, svec, nmin))

    num = _extract(0)
    start_g = _extract(1)
    start_q = _extract(2)

    starts = (start_g, start_g, start_q, start_q)
    srcs = (src_t_v, src_s_v, src_t_v, src_s_v)
    ov = [jnp.logical_and(base + SLICE > starts[a], base < starts[a] + num)
          for a in range(4)]
    need_t = jnp.logical_or(ov[0], ov[2])
    need_s = jnp.logical_or(ov[1], ov[3])

    @pl.when(need_t)
    def _():
        src_loads[0].start()

    @pl.when(need_s)
    def _():
        src_loads[1].start()

    @pl.when(need_t)
    def _():
        src_loads[0].wait()

    @pl.when(need_s)
    def _():
        src_loads[1].wait()

    for a in range(4):
        loads[a].wait()

        @pl.when(ov[a])
        def _(a=a):
            d_v = bufs[a]
            src_v = srcs[a]
            start = starts[a]
            end = start + num
            sv = jnp.full((LANES,), start, jnp.int32)
            ev = jnp.full((LANES,), end, jnp.int32)
            lo = (jnp.maximum(start - base, 0) // LANES) * LANES
            hi = jnp.minimum(jnp.maximum(end - base, 0), SLICE)
            hi = ((hi + LANES - 1) // LANES) * LANES
            w = SLICE + base - start

            @pl.loop(lo, hi, step=LANES)
            def _(c0):
                jv = lane + jnp.full((LANES,), base + c0, jnp.int32)
                valid = jnp.logical_and(jv >= sv, jv < ev)
                svals = src_v[pl.ds(w + c0, LANES)]
                cur = d_v[pl.ds(c0, LANES)]
                d_v[pl.ds(c0, LANES)] = jnp.where(valid, svals, cur)

        stores[a].start()

    for c in stores:
        c.wait()


def kernel(new_tokens, new_token_seq_ids, num_new_tokens,
           generated_tokens, generated_seq_ids, num_generated_tokens,
           queued_tokens, queued_seq_ids, num_queued_tokens):
    num = jnp.minimum(num_new_tokens.astype(jnp.int32), CHUNK)
    start_g = num_generated_tokens.astype(jnp.int32)
    start_q = num_queued_tokens.astype(jnp.int32)
    scal = jnp.zeros((LANES,), jnp.int32)
    scal = scal.at[0].set(num).at[1].set(start_g).at[2].set(start_q)

    buf = jax.ShapeDtypeStruct((N_BUF,), jnp.int32)
    run = functools.partial(
        pl.kernel,
        out_type=[buf, buf, buf, buf],
        mesh=_mesh(),
        compiler_params=_compiler_params(),
        scratch_types=[
            pltpu.VMEM((LANES,), jnp.int32),
            pltpu.VMEM((SLICE + CHUNK + SLICE,), jnp.int32),
            pltpu.VMEM((SLICE + CHUNK + SLICE,), jnp.int32),
            pltpu.VMEM((SLICE,), jnp.int32),
            pltpu.VMEM((SLICE,), jnp.int32),
            pltpu.VMEM((SLICE,), jnp.int32),
            pltpu.VMEM((SLICE,), jnp.int32),
            pltpu.SemaphoreType.DMA,
            pltpu.SemaphoreType.DMA((2,)),
            pltpu.SemaphoreType.DMA((4,)),
            pltpu.SemaphoreType.DMA((4,)),
        ],
    )(_sched_body)

    og_tok, og_sid, oq_tok, oq_sid = run(
        new_tokens, new_token_seq_ids,
        generated_tokens, generated_seq_ids,
        queued_tokens, queued_seq_ids, scal)

    return (og_tok, og_sid, num_generated_tokens + num_new_tokens,
            oq_tok, oq_sid, num_queued_tokens + num_new_tokens)

# --- scband reference (transcript-rebuilt; emitter-appended) ---
"""Pipeline reference for scband-jit-scheduler-75754633167006 (READ-ONLY COPY).

The authoritative reference and input builder live on the scoring server;
editing this copy changes nothing except your own understanding.
"""

import jax, jax.numpy as jnp
import numpy as np

MAX_BUFFERED = 32768
MAX_QUEUED = 32768
CHUNK = 2048


def masked_set(dest, start, src, num_to_copy):
    """jit-safe masked memcpy: dest[start:start+num_to_copy] = src[:num_to_copy].
    Faithful to the haliax masked_set: out-of-range dest indices are dropped,
    out-of-range src indices clamp (values are dropped on the dest side anyway)."""
    src_arange = jnp.arange(src.shape[0], dtype=jnp.int32)
    dest_size = dest.shape[0]
    dest_idx = jnp.where(src_arange >= num_to_copy, dest_size, src_arange + start)
    src_idx = jnp.where(src_arange >= num_to_copy, src.shape[0], src_arange)
    vals = jnp.take(src, src_idx, axis=0, mode='clip')
    return dest.at[dest_idx].set(vals, mode='drop')


def setup_inputs(seed: int = 0) -> dict:
    key = jax.random.key(seed)
    k1, k2 = jax.random.split(key)
    new_tokens = jax.random.randint(k1, (CHUNK,), 0, 32000, dtype=jnp.int32)
    new_token_seq_ids = jnp.sort(jax.random.randint(k2, (CHUNK,), 0, 16, dtype=jnp.int32))
    num_new_tokens = jnp.array(1500, dtype=jnp.int32)
    # scheduler state (as created by JitScheduler.init, then partially filled)
    generated_tokens = jnp.full((MAX_BUFFERED,), -1, dtype=jnp.int32)
    generated_seq_ids = jnp.full((MAX_BUFFERED,), -1, dtype=jnp.int32)
    num_generated_tokens = jnp.array(4096, dtype=jnp.int32)
    queued_tokens = jnp.full((MAX_QUEUED,), -1, dtype=jnp.int32)
    queued_seq_ids = jnp.full((MAX_QUEUED,), -1, dtype=jnp.int32)
    num_queued_tokens = jnp.array(1024, dtype=jnp.int32)
    return {
        'new_tokens': new_tokens,
        'new_token_seq_ids': new_token_seq_ids,
        'num_new_tokens': num_new_tokens,
        'generated_tokens': generated_tokens,
        'generated_seq_ids': generated_seq_ids,
        'num_generated_tokens': num_generated_tokens,
        'queued_tokens': queued_tokens,
        'queued_seq_ids': queued_seq_ids,
        'num_queued_tokens': num_queued_tokens,
    }


def reference(new_tokens, new_token_seq_ids, num_new_tokens,
              generated_tokens, generated_seq_ids, num_generated_tokens,
              queued_tokens, queued_seq_ids, num_queued_tokens):
    # JitScheduler.update_after_sampling: append to generated buffers...
    new_g_tokens = masked_set(generated_tokens, num_generated_tokens, new_tokens, num_new_tokens)
    new_g_seq_ids = masked_set(generated_seq_ids, num_generated_tokens, new_token_seq_ids, num_new_tokens)
    new_num_generated = num_generated_tokens + num_new_tokens
    # ...then enqueue_tokens: append same tokens to the queue for next round
    new_q_tokens = masked_set(queued_tokens, num_queued_tokens, new_tokens, num_new_tokens)
    new_q_seq_ids = masked_set(queued_seq_ids, num_queued_tokens, new_token_seq_ids, num_new_tokens)
    new_num_queued = num_queued_tokens + num_new_tokens
    return (new_g_tokens, new_g_seq_ids, new_num_generated,
            new_q_tokens, new_q_seq_ids, new_num_queued)

if __name__ == "__main__":
    import jax
    _d = setup_inputs()
    print(jax.jit(kernel)(*tuple(_d.values())))

</pallas_src>

<mosaic_0001>
#map = affine_map<(d0, d1) -> (0)>
module attributes {stable_mosaic.version = 14 : i64} {
  func.func @_sched_body(%arg0: i32, %arg1: i32, %arg2: memref<2048xi32, #tpu.memory_space<hbm>>, %arg3: memref<2048xi32, #tpu.memory_space<hbm>>, %arg4: memref<32768xi32, #tpu.memory_space<hbm>>, %arg5: memref<32768xi32, #tpu.memory_space<hbm>>, %arg6: memref<32768xi32, #tpu.memory_space<hbm>>, %arg7: memref<32768xi32, #tpu.memory_space<hbm>>, %arg8: memref<16xi32, #tpu.memory_space<hbm>>, %arg9: memref<32768xi32, #tpu.memory_space<hbm>>, %arg10: memref<32768xi32, #tpu.memory_space<hbm>>, %arg11: memref<32768xi32, #tpu.memory_space<hbm>>, %arg12: memref<32768xi32, #tpu.memory_space<hbm>>, %arg13: memref<16xi32, #tpu.memory_space<vmem>>, %arg14: memref<4096xi32, #tpu.memory_space<vmem>>, %arg15: memref<4096xi32, #tpu.memory_space<vmem>>, %arg16: memref<1024xi32, #tpu.memory_space<vmem>>, %arg17: memref<1024xi32, #tpu.memory_space<vmem>>, %arg18: memref<1024xi32, #tpu.memory_space<vmem>>, %arg19: memref<1024xi32, #tpu.memory_space<vmem>>, %arg20: memref<!tpu.dma_semaphore, #tpu.memory_space<semaphore_mem>>, %arg21: memref<2x!tpu.dma_semaphore, #tpu.memory_space<semaphore_mem>>, %arg22: memref<4x!tpu.dma_semaphore, #tpu.memory_space<semaphore_mem>>, %arg23: memref<4x!tpu.dma_semaphore, #tpu.memory_space<semaphore_mem>>) attributes {dimension_semantics = [#tpu.dimension_semantics<core_parallel>, #tpu.dimension_semantics<subcore_parallel>], iteration_bounds = array<i64: 2, 16>, scalar_prefetch = 0 : i64, scratch_operands = 11 : i64, tpu.core_type = #tpu.core_type<sc_vector_subcore>, window_params = [{transform_indices = #map}, {transform_indices = #map}, {transform_indices = #map}, {transform_indices = #map}, {transform_indices = #map}, {transform_indices = #map}, {transform_indices = #map}, {transform_indices = #map}, {transform_indices = #map}, {transform_indices = #map}, {transform_indices = #map}]} {
    %mul3A = arith.constant 2 : i32
    %mul3A_0 = arith.muli %arg1, %mul3A : i32
    %add3A = arith.addi %mul3A_0, %arg0 : i32
    %mul3A_1 = arith.constant 1024 : i32
    %mul3A_2 = arith.muli %add3A, %mul3A_1 : i32
    %multiple_of3A = tpu.assume_multiple %mul3A_2, 1024 : i32
    tpu.enqueue_dma source(%arg8 : memref<16xi32, #tpu.memory_space<hbm>>) target(%arg13 : memref<16xi32, #tpu.memory_space<vmem>>) target_semaphore(%arg20 : memref<!tpu.dma_semaphore, #tpu.memory_space<semaphore_mem>>)
    %dma_start3A = arith.constant 0 : i32
    %dma_start3A_3 = tpu.memref_slice %arg4[%multiple_of3A] : memref<32768xi32, #tpu.memory_space<hbm>> -> memref<1024xi32, #tpu.memory_space<hbm>>
    %dma_start3A_4 = tpu.memref_slice %arg22[%dma_start3A] : memref<4x!tpu.dma_semaphore, #tpu.memory_space<semaphore_mem>> -> memref<1x!tpu.dma_semaphore, #tpu.memory_space<semaphore_mem>>
    %dma_start3A_5 = tpu.memref_squeeze %dma_start3A_4 : memref<1x!tpu.dma_semaphore, #tpu.memory_space<semaphore_mem>> -> memref<!tpu.dma_semaphore, #tpu.memory_space<semaphore_mem>>
    %dma_start3A_6 = tpu.memref_slice %arg4[%multiple_of3A] : memref<32768xi32, #tpu.memory_space<hbm>> -> memref<1024xi32, #tpu.memory_space<hbm>>
    tpu.enqueue_dma source(%dma_start3A_6 : memref<1024xi32, #tpu.memory_space<hbm>>) target(%arg16 : memref<1024xi32, #tpu.memory_space<vmem>>) target_semaphore(%dma_start3A_5 : memref<!tpu.dma_semaphore, #tpu.memory_space<semaphore_mem>>)
    %dma_start3A_7 = arith.constant 1 : i32
    %dma_start3A_8 = tpu.memref_slice %arg5[%multiple_of3A] : memref<32768xi32, #tpu.memory_space<hbm>> -> memref<1024xi32, #tpu.memory_space<hbm>>
    %dma_start3A_9 = tpu.memref_slice %arg22[%dma_start3A_7] : memref<4x!tpu.dma_semaphore, #tpu.memory_space<semaphore_mem>> -> memref<1x!tpu.dma_semaphore, #tpu.memory_space<semaphore_mem>>
    %dma_start3A_10 = tpu.memref_squeeze %dma_start3A_9 : memref<1x!tpu.dma_semaphore, #tpu.memory_space<semaphore_mem>> -> memref<!tpu.dma_semaphore, #tpu.memory_space<semaphore_mem>>
    %dma_start3A_11 = tpu.memref_slice %arg5[%multiple_of3A] : memref<32768xi32, #tpu.memory_space<hbm>> -> memref<1024xi32, #tpu.memory_space<hbm>>
    tpu.enqueue_dma source(%dma_start3A_11 : memref<1024xi32, #tpu.memory_space<hbm>>) target(%arg17 : memref<1024xi32, #tpu.memory_space<vmem>>) target_semaphore(%dma_start3A_10 : memref<!tpu.dma_semaphore, #tpu.memory_space<semaphore_mem>>)
    %dma_start3A_12 = arith.constant 2 : i32
    %dma_start3A_13 = tpu.memref_slice %arg6[%multiple_of3A] : memref<32768xi32, #tpu.memory_space<hbm>> -> memref<1024xi32, #tpu.memory_space<hbm>>
    %dma_start3A_14 = tpu.memref_slice %arg22[%dma_start3A_12] : memref<4x!tpu.dma_semaphore, #tpu.memory_space<semaphore_mem>> -> memref<1x!tpu.dma_semaphore, #tpu.memory_space<semaphore_mem>>
    %dma_start3A_15 = tpu.memref_squeeze %dma_start3A_14 : memref<1x!tpu.dma_semaphore, #tpu.memory_space<semaphore_mem>> -> memref<!tpu.dma_semaphore, #tpu.memory_space<semaphore_mem>>
    %dma_start3A_16 = tpu.memref_slice %arg6[%multiple_of3A] : memref<32768xi32, #tpu.memory_space<hbm>> -> memref<1024xi32, #tpu.memory_space<hbm>>
    tpu.enqueue_dma source(%dma_start3A_16 : memref<1024xi32, #tpu.memory_space<hbm>>) target(%arg18 : memref<1024xi32, #tpu.memory_space<vmem>>) target_semaphore(%dma_start3A_15 : memref<!tpu.dma_semaphore, #tpu.memory_space<semaphore_mem>>)
    %dma_start3A_17 = arith.constant 3 : i32
    %dma_start3A_18 = tpu.memref_slice %arg7[%multiple_of3A] : memref<32768xi32, #tpu.memory_space<hbm>> -> memref<1024xi32, #tpu.memory_space<hbm>>
    %dma_start3A_19 = tpu.memref_slice %arg22[%dma_start3A_17] : memref<4x!tpu.dma_semaphore, #tpu.memory_space<semaphore_mem>> -> memref<1x!tpu.dma_semaphore, #tpu.memory_space<semaphore_mem>>
    %dma_start3A_20 = tpu.memref_squeeze %dma_start3A_19 : memref<1x!tpu.dma_semaphore, #tpu.memory_space<semaphore_mem>> -> memref<!tpu.dma_semaphore, #tpu.memory_space<semaphore_mem>>
    %dma_start3A_21 = tpu.memref_slice %arg7[%multiple_of3A] : memref<32768xi32, #tpu.memory_space<hbm>> -> memref<1024xi32, #tpu.memory_space<hbm>>
    tpu.enqueue_dma source(%dma_start3A_21 : memref<1024xi32, #tpu.memory_space<hbm>>) target(%arg19 : memref<1024xi32, #tpu.memory_space<vmem>>) target_semaphore(%dma_start3A_20 : memref<!tpu.dma_semaphore, #tpu.memory_space<semaphore_mem>>)
    tpu.wait_dma2 semaphore(%arg20 : memref<!tpu.dma_semaphore, #tpu.memory_space<semaphore_mem>>) src(%arg8 : memref<16xi32, #tpu.memory_space<hbm>>) dst(%arg13 : memref<16xi32, #tpu.memory_space<vmem>>)
    %get3A = arith.constant 0 : index
    %get3A_22 = tpu.vector_load %arg13[%get3A] {strides = array<i32>} : memref<16xi32, #tpu.memory_space<vmem>>, vector<16xi32>,
    %iota3A = tpu.iota {dimensions = array<i32: 0>} : vector<16xi32>
    %broadcast_in_dim3A = arith.constant -2147483648 : i32
    %broadcast_in_dim3A_23 = vector.broadcast %broadcast_in_dim3A : i32 to vector<16xi32>
    %eq3A = arith.constant 0 : i32
    %eq3A_24 = vector.broadcast %eq3A : i32 to vector<16xi32>
    %eq3A_25 = arith.cmpi eq, %iota3A, %eq3A_24 : vector<16xi32>
    %select_n3A = arith.select %eq3A_25, %get3A_22, %broadcast_in_dim3A_23 : vector<16xi1>, vector<16xi32>
    %reduce_max3A = arith.constant true
    %reduce_max3A_26 = vector.broadcast %reduce_max3A : i1 to vector<16xi1>
    %reduce_max3A_27 = arith.constant -2147483648 : i32
    %reduce_max3A_28 = vector.broadcast %reduce_max3A_27 : i32 to vector<16xi32>
    %reduce_max3A_29 = arith.xori %select_n3A, %reduce_max3A_28 : vector<16xi32>
    %reduce_max3A_30 = tpu.scan <max>, %reduce_max3A_29 masked %reduce_max3A_26 : vector<16xi32>, vector<16xi1> -> vector<16xi32>
    %reduce_max3A_31 = arith.xori %reduce_max3A_30, %reduce_max3A_28 : vector<16xi32>
    %reduce_max3A_32 = vector.extract %reduce_max3A_31[15] : i32 from vector<16xi32>
    %eq3A_33 = arith.constant 1 : i32
    %eq3A_34 = vector.broadcast %eq3A_33 : i32 to vector<16xi32>
    %eq3A_35 = arith.cmpi eq, %iota3A, %eq3A_34 : vector<16xi32>
    %select_n3A_36 = arith.select %eq3A_35, %get3A_22, %broadcast_in_dim3A_23 : vector<16xi1>, vector<16xi32>
    %reduce_max3A_37 = arith.constant true
    %reduce_max3A_38 = vector.broadcast %reduce_max3A_37 : i1 to vector<16xi1>
    %reduce_max3A_39 = arith.constant -2147483648 : i32
    %reduce_max3A_40 = vector.broadcast %reduce_max3A_39 : i32 to vector<16xi32>
    %reduce_max3A_41 = arith.xori %select_n3A_36, %reduce_max3A_40 : vector<16xi32>
    %reduce_max3A_42 = tpu.scan <max>, %reduce_max3A_41 masked %reduce_max3A_38 : vector<16xi32>, vector<16xi1> -> vector<16xi32>
    %reduce_max3A_43 = arith.xori %reduce_max3A_42, %reduce_max3A_40 : vector<16xi32>
    %reduce_max3A_44 = vector.extract %reduce_max3A_43[15] : i32 from vector<16xi32>
    %eq3A_45 = arith.constant 2 : i32
    %eq3A_46 = vector.broadcast %eq3A_45 : i32 to vector<16xi32>
    %eq3A_47 = arith.cmpi eq, %iota3A, %eq3A_46 : vector<16xi32>
    %select_n3A_48 = arith.select %eq3A_47, %get3A_22, %broadcast_in_dim3A_23 : vector<16xi1>, vector<16xi32>
    %reduce_max3A_49 = arith.constant true
    %reduce_max3A_50 = vector.broadcast %reduce_max3A_49 : i1 to vector<16xi1>
    %reduce_max3A_51 = arith.constant -2147483648 : i32
    %reduce_max3A_52 = vector.broadcast %reduce_max3A_51 : i32 to vector<16xi32>
    %reduce_max3A_53 = arith.xori %select_n3A_48, %reduce_max3A_52 : vector<16xi32>
    %reduce_max3A_54 = tpu.scan <max>, %reduce_max3A_53 masked %reduce_max3A_50 : vector<16xi32>, vector<16xi1> -> vector<16xi32>
    %reduce_max3A_55 = arith.xori %reduce_max3A_54, %reduce_max3A_52 : vector<16xi32>
    %reduce_max3A_56 = vector.extract %reduce_max3A_55[15] : i32 from vector<16xi32>
    %add3A_57 = arith.constant 1024 : i32
    %add3A_58 = arith.addi %multiple_of3A, %add3A_57 : i32
    %gt3A = arith.cmpi sgt, %add3A_58, %reduce_max3A_44 : i32
    %add3A_59 = arith.addi %reduce_max3A_44, %reduce_max3A_32 : i32
    %lt3A = arith.cmpi slt, %multiple_of3A, %add3A_59 : i32
    %and3A = arith.andi %gt3A, %lt3A : i1
    %add3A_60 = arith.constant 1024 : i32
    %add3A_61 = arith.addi %multiple_of3A, %add3A_60 : i32
    %gt3A_62 = arith.cmpi sgt, %add3A_61, %reduce_max3A_44 : i32
    %add3A_63 = arith.addi %reduce_max3A_44, %reduce_max3A_32 : i32
    %lt3A_64 = arith.cmpi slt, %multiple_of3A, %add3A_63 : i32
    %and3A_65 = arith.andi %gt3A_62, %lt3A_64 : i1
    %add3A_66 = arith.constant 1024 : i32
    %add3A_67 = arith.addi %multiple_of3A, %add3A_66 : i32
    %gt3A_68 = arith.cmpi sgt, %add3A_67, %reduce_max3A_56 : i32
    %add3A_69 = arith.addi %reduce_max3A_56, %reduce_max3A_32 : i32
    %lt3A_70 = arith.cmpi slt, %multiple_of3A, %add3A_69 : i32
    %and3A_71 = arith.andi %gt3A_68, %lt3A_70 : i1
    %add3A_72 = arith.constant 1024 : i32
    %add3A_73 = arith.addi %multiple_of3A, %add3A_72 : i32
    %gt3A_74 = arith.cmpi sgt, %add3A_73, %reduce_max3A_56 : i32
    %add3A_75 = arith.addi %reduce_max3A_56, %reduce_max3A_32 : i32
    %lt3A_76 = arith.cmpi slt, %multiple_of3A, %add3A_75 : i32
    %and3A_77 = arith.andi %gt3A_74, %lt3A_76 : i1
    %or3A = arith.ori %and3A, %and3A_71 : i1
    %or3A_78 = arith.ori %and3A_65, %and3A_77 : i1
    %convert_element_type3A = arith.extui %or3A : i1 to i32
    %cond3A = arith.constant 0 : i32
    %cond3A_79 = arith.constant 0 : i32
    %cond3A_80 = arith.cmpi ne, %convert_element_type3A, %cond3A_79 : i32
    scf.if %cond3A_80 {
      %dma_start3A_164 = arith.constant 1024 : i32
      %dma_start3A_165 = tpu.memref_slice %arg14[%dma_start3A_164] : memref<4096xi32, #tpu.memory_space<vmem>> -> memref<2048xi32, #tpu.memory_space<vmem>>
      %dma_start3A_166 = tpu.memref_slice %arg21[%cond3A] : memref<2x!tpu.dma_semaphore, #tpu.memory_space<semaphore_mem>> -> memref<1x!tpu.dma_semaphore, #tpu.memory_space<semaphore_mem>>
      %dma_start3A_167 = tpu.memref_squeeze %dma_start3A_166 : memref<1x!tpu.dma_semaphore, #tpu.memory_space<semaphore_mem>> -> memref<!tpu.dma_semaphore, #tpu.memory_space<semaphore_mem>>
      %dma_start3A_168 = arith.constant 1024 : i32
      %dma_start3A_169 = tpu.memref_slice %arg14[%dma_start3A_168] : memref<4096xi32, #tpu.memory_space<vmem>> -> memref<2048xi32, #tpu.memory_space<vmem>>
      tpu.enqueue_dma source(%arg2 : memref<2048xi32, #tpu.memory_space<hbm>>) target(%dma_start3A_169 : memref<2048xi32, #tpu.memory_space<vmem>>) target_semaphore(%dma_start3A_167 : memref<!tpu.dma_semaphore, #tpu.memory_space<semaphore_mem>>)
    } else {
    }
    %convert_element_type3A_81 = arith.extui %or3A_78 : i1 to i32
    %cond3A_82 = arith.constant 1 : i32
    %cond3A_83 = arith.constant 0 : i32
    %cond3A_84 = arith.cmpi ne, %convert_element_type3A_81, %cond3A_83 : i32
    scf.if %cond3A_84 {
      %dma_start3A_164 = arith.constant 1024 : i32
      %dma_start3A_165 = tpu.memref_slice %arg15[%dma_start3A_164] : memref<4096xi32, #tpu.memory_space<vmem>> -> memref<2048xi32, #tpu.memory_space<vmem>>
      %dma_start3A_166 = tpu.memref_slice %arg21[%cond3A_82] : memref<2x!tpu.dma_semaphore, #tpu.memory_space<semaphore_mem>> -> memref<1x!tpu.dma_semaphore, #tpu.memory_space<semaphore_mem>>
      %dma_start3A_167 = tpu.memref_squeeze %dma_start3A_166 : memref<1x!tpu.dma_semaphore, #tpu.memory_space<semaphore_mem>> -> memref<!tpu.dma_semaphore, #tpu.memory_space<semaphore_mem>>
      %dma_start3A_168 = arith.constant 1024 : i32
      %dma_start3A_169 = tpu.memref_slice %arg15[%dma_start3A_168] : memref<4096xi32, #tpu.memory_space<vmem>> -> memref<2048xi32, #tpu.memory_space<vmem>>
      tpu.enqueue_dma source(%arg3 : memref<2048xi32, #tpu.memory_space<hbm>>) target(%dma_start3A_169 : memref<2048xi32, #tpu.memory_space<vmem>>) target_semaphore(%dma_start3A_167 : memref<!tpu.dma_semaphore, #tpu.memory_space<semaphore_mem>>)
    } else {
    }
    %convert_element_type3A_85 = arith.extui %or3A : i1 to i32
    %cond3A_86 = arith.constant 0 : i32
    %cond3A_87 = arith.constant 0 : i32
    %cond3A_88 = arith.cmpi ne, %convert_element_type3A_85, %cond3A_87 : i32
    scf.if %cond3A_88 {
      %dma_wait3A_164 = arith.constant 1024 : i32
      %dma_wait3A_165 = tpu.memref_slice %arg14[%dma_wait3A_164] : memref<4096xi32, #tpu.memory_space<vmem>> -> memref<2048xi32, #tpu.memory_space<vmem>>
      %dma_wait3A_166 = tpu.memref_slice %arg21[%cond3A_86] : memref<2x!tpu.dma_semaphore, #tpu.memory_space<semaphore_mem>> -> memref<1x!tpu.dma_semaphore, #tpu.memory_space<semaphore_mem>>
      %dma_wait3A_167 = tpu.memref_squeeze %dma_wait3A_166 : memref<1x!tpu.dma_semaphore, #tpu.memory_space<semaphore_mem>> -> memref<!tpu.dma_semaphore, #tpu.memory_space<semaphore_mem>>
      %dma_wait3A_168 = arith.constant 1024 : i32
      %dma_wait3A_169 = tpu.memref_slice %arg14[%dma_wait3A_168] : memref<4096xi32, #tpu.memory_space<vmem>> -> memref<2048xi32, #tpu.memory_space<vmem>>
      tpu.wait_dma2 semaphore(%dma_wait3A_167 : memref<!tpu.dma_semaphore, #tpu.memory_space<semaphore_mem>>) src(%arg2 : memref<2048xi32, #tpu.memory_space<hbm>>) dst(%dma_wait3A_169 : memref<2048xi32, #tpu.memory_space<vmem>>)
    } else {
    }
    %convert_element_type3A_89 = arith.extui %or3A_78 : i1 to i32
    %cond3A_90 = arith.constant 1 : i32
    %cond3A_91 = arith.constant 0 : i32
    %cond3A_92 = arith.cmpi ne, %convert_element_type3A_89, %cond3A_91 : i32
    scf.if %cond3A_92 {
      %dma_wait3A_164 = arith.constant 1024 : i32
      %dma_wait3A_165 = tpu.memref_slice %arg15[%dma_wait3A_164] : memref<4096xi32, #tpu.memory_space<vmem>> -> memref<2048xi32, #tpu.memory_space<vmem>>
      %dma_wait3A_166 = tpu.memref_slice %arg21[%cond3A_90] : memref<2x!tpu.dma_semaphore, #tpu.memory_space<semaphore_mem>> -> memref<1x!tpu.dma_semaphore, #tpu.memory_space<semaphore_mem>>
      %dma_wait3A_167 = tpu.memref_squeeze %dma_wait3A_166 : memref<1x!tpu.dma_semaphore, #tpu.memory_space<semaphore_mem>> -> memref<!tpu.dma_semaphore, #tpu.memory_space<semaphore_mem>>
      %dma_wait3A_168 = arith.constant 1024 : i32
      %dma_wait3A_169 = tpu.memref_slice %arg15[%dma_wait3A_168] : memref<4096xi32, #tpu.memory_space<vmem>> -> memref<2048xi32, #tpu.memory_space<vmem>>
      tpu.wait_dma2 semaphore(%dma_wait3A_167 : memref<!tpu.dma_semaphore, #tpu.memory_space<semaphore_mem>>) src(%arg3 : memref<2048xi32, #tpu.memory_space<hbm>>) dst(%dma_wait3A_169 : memref<2048xi32, #tpu.memory_space<vmem>>)
    } else {
    }
    %dma_wait3A = arith.constant 0 : i32
    %dma_wait3A_93 = tpu.memref_slice %arg4[%multiple_of3A] : memref<32768xi32, #tpu.memory_space<hbm>> -> memref<1024xi32, #tpu.memory_space<hbm>>
    %dma_wait3A_94 = tpu.memref_slice %arg22[%dma_wait3A] : memref<4x!tpu.dma_semaphore, #tpu.memory_space<semaphore_mem>> -> memref<1x!tpu.dma_semaphore, #tpu.memory_space<semaphore_mem>>
    %dma_wait3A_95 = tpu.memref_squeeze %dma_wait3A_94 : memref<1x!tpu.dma_semaphore, #tpu.memory_space<semaphore_mem>> -> memref<!tpu.dma_semaphore, #tpu.memory_space<semaphore_mem>>
    %dma_wait3A_96 = tpu.memref_slice %arg4[%multiple_of3A] : memref<32768xi32, #tpu.memory_space<hbm>> -> memref<1024xi32, #tpu.memory_space<hbm>>
    tpu.wait_dma2 semaphore(%dma_wait3A_95 : memref<!tpu.dma_semaphore, #tpu.memory_space<semaphore_mem>>) src(%dma_wait3A_96 : memref<1024xi32, #tpu.memory_space<hbm>>) dst(%arg16 : memref<1024xi32, #tpu.memory_space<vmem>>)
    %convert_element_type3A_97 = arith.extui %and3A : i1 to i32
    %cond3A_98 = arith.constant 0 : i32
    %cond3A_99 = arith.cmpi ne, %convert_element_type3A_97, %cond3A_98 : i32
    scf.if %cond3A_99 {
      %add3A_164 = arith.addi %reduce_max3A_44, %reduce_max3A_32 : i32
      %broadcast_in_dim3A_165 = vector.broadcast %reduce_max3A_44 : i32 to vector<16xi32>
      %broadcast_in_dim3A_166 = vector.broadcast %add3A_164 : i32 to vector<16xi32>
      %sub3A = arith.subi %reduce_max3A_44, %multiple_of3A : i32
      %max3A = arith.constant 0 : i32
      %max3A_167 = arith.maxsi %sub3A, %max3A : i32
      %jit3A = arith.constant 16 : i32
      %div3A = arith.divsi %max3A_167, %jit3A : i32
      %sign3A = arith.constant 0 : i32
      %sign3A_168 = arith.cmpi sgt, %max3A_167, %sign3A : i32
      %sign3A_169 = arith.extui %sign3A_168 : i1 to i32
      %sign3A_170 = arith.constant 0 : i32
      %sign3A_171 = arith.cmpi slt, %max3A_167, %sign3A_170 : i32
      %sign3A_172 = arith.extui %sign3A_171 : i1 to i32
      %sign3A_173 = arith.subi %sign3A_169, %sign3A_172 : i32
      %sign3A_174 = arith.constant 0 : i32
      %sign3A_175 = arith.cmpi sgt, %jit3A, %sign3A_174 : i32
      %sign3A_176 = arith.extui %sign3A_175 : i1 to i32
      %sign3A_177 = arith.constant 0 : i32
      %sign3A_178 = arith.cmpi slt, %jit3A, %sign3A_177 : i32
      %sign3A_179 = arith.extui %sign3A_178 : i1 to i32
      %sign3A_180 = arith.subi %sign3A_176, %sign3A_179 : i32
      %ne3A = arith.cmpi ne, %sign3A_173, %sign3A_180 : i32
      %rem3A = arith.remsi %max3A_167, %jit3A : i32
      %ne3A_181 = arith.constant 0 : i32
      %ne3A_182 = arith.cmpi ne, %rem3A, %ne3A_181 : i32
      %and3A_183 = arith.andi %ne3A, %ne3A_182 : i1
      %sub3A_184 = arith.constant 1 : i32
      %sub3A_185 = arith.subi %div3A, %sub3A_184 : i32
      %select_n3A_186 = arith.select %and3A_183, %sub3A_185, %div3A : i32
      %mul3A_187 = arith.constant 16 : i32
      %mul3A_188 = arith.muli %select_n3A_186, %mul3A_187 : i32
      %sub3A_189 = arith.subi %add3A_164, %multiple_of3A : i32
      %max3A_190 = arith.constant 0 : i32
      %max3A_191 = arith.maxsi %sub3A_189, %max3A_190 : i32
      %min3A = arith.constant 1024 : i32
      %min3A_192 = arith.minsi %max3A_191, %min3A : i32
      %add3A_193 = arith.constant 16 : i32
      %add3A_194 = arith.addi %min3A_192, %add3A_193 : i32
      %sub3A_195 = arith.constant 1 : i32
      %sub3A_196 = arith.subi %add3A_194, %sub3A_195 : i32
      %jit3A_197 = arith.constant 16 : i32
      %div3A_198 = arith.divsi %sub3A_196, %jit3A_197 : i32
      %sign3A_199 = arith.constant 0 : i32
      %sign3A_200 = arith.cmpi sgt, %sub3A_196, %sign3A_199 : i32
      %sign3A_201 = arith.extui %sign3A_200 : i1 to i32
      %sign3A_202 = arith.constant 0 : i32
      %sign3A_203 = arith.cmpi slt, %sub3A_196, %sign3A_202 : i32
      %sign3A_204 = arith.extui %sign3A_203 : i1 to i32
      %sign3A_205 = arith.subi %sign3A_201, %sign3A_204 : i32
      %sign3A_206 = arith.constant 0 : i32
      %sign3A_207 = arith.cmpi sgt, %jit3A_197, %sign3A_206 : i32
      %sign3A_208 = arith.extui %sign3A_207 : i1 to i32
      %sign3A_209 = arith.constant 0 : i32
      %sign3A_210 = arith.cmpi slt, %jit3A_197, %sign3A_209 : i32
      %sign3A_211 = arith.extui %sign3A_210 : i1 to i32
      %sign3A_212 = arith.subi %sign3A_208, %sign3A_211 : i32
      %ne3A_213 = arith.cmpi ne, %sign3A_205, %sign3A_212 : i32
      %rem3A_214 = arith.remsi %sub3A_196, %jit3A_197 : i32
      %ne3A_215 = arith.constant 0 : i32
      %ne3A_216 = arith.cmpi ne, %rem3A_214, %ne3A_215 : i32
      %and3A_217 = arith.andi %ne3A_213, %ne3A_216 : i1
      %sub3A_218 = arith.constant 1 : i32
      %sub3A_219 = arith.subi %div3A_198, %sub3A_218 : i32
      %select_n3A_220 = arith.select %and3A_217, %sub3A_219, %div3A_198 : i32
      %mul3A_221 = arith.constant 16 : i32
      %mul3A_222 = arith.muli %select_n3A_220, %mul3A_221 : i32
      %add3A_223 = arith.constant 1024 : i32
      %add3A_224 = arith.addi %add3A_223, %multiple_of3A : i32
      %sub3A_225 = arith.subi %add3A_224, %reduce_max3A_44 : i32
      %sub3A_226 = arith.subi %mul3A_222, %mul3A_188 : i32
      %sub3A_227 = arith.constant 16 : i32
      %sub3A_228 = arith.constant 1 : i32
      %sub3A_229 = arith.subi %sub3A_227, %sub3A_228 : i32
      %add3A_230 = arith.addi %sub3A_226, %sub3A_229 : i32
      %div3A_231 = arith.constant 16 : i32
      %div3A_232 = arith.divsi %add3A_230, %div3A_231 : i32
      %while3A = arith.constant 16 : i32
      %while3A_233 = arith.constant 0 : i32
      %while3A_234 = arith.subi %div3A_232, %while3A_233 : i32
      %while3A_235 = arith.addi %while3A_233, %while3A_234 : i32
      %while3A_236 = arith.constant 1 : i32
      %while3A_237 = arith.divsi %while3A_234, %while3A_236 : i32
      %while3A_238 = arith.muli %while3A_237, %while3A_236 : i32
      %while3A_239 = arith.addi %while3A_233, %while3A_238 : i32
      %while3A_240 = arith.constant 1 : i32
      scf.for %while3A_242 = %while3A_233 to %while3A_239 step %while3A_240  : i32 {
        %mul3A_243 = arith.muli %while3A_242, %while3A : i32
        %add3A_244 = arith.addi %mul3A_188, %mul3A_243 : i32
        %add3A_245 = arith.addi %multiple_of3A, %add3A_244 : i32
        %broadcast_in_dim3A_246 = vector.broadcast %add3A_245 : i32 to vector<16xi32>
        %add3A_247 = arith.addi %iota3A, %broadcast_in_dim3A_246 : vector<16xi32>
        %ge3A = arith.cmpi sge, %add3A_247, %broadcast_in_dim3A_165 : vector<16xi32>
        %lt3A_248 = arith.cmpi slt, %add3A_247, %broadcast_in_dim3A_166 : vector<16xi32>
        %and3A_249 = arith.andi %ge3A, %lt3A_248 : vector<16xi1>
        %add3A_250 = arith.addi %sub3A_225, %add3A_244 : i32
        %get3A_251 = arith.index_cast %add3A_250 : i32 to index
        %get3A_252 = tpu.vector_load %arg14[%get3A_251] {strides = array<i32>} : memref<4096xi32, #tpu.memory_space<vmem>>, vector<16xi32>,
        %get3A_253 = arith.index_cast %add3A_244 : i32 to index
        %get3A_254 = tpu.vector_load %arg16[%get3A_253] {strides = array<i32>} : memref<1024xi32, #tpu.memory_space<vmem>>, vector<16xi32>,
        %select_n3A_255 = arith.select %and3A_249, %get3A_252, %get3A_254 : vector<16xi1>, vector<16xi32>
        %swap3A = arith.index_cast %add3A_244 : i32 to index
        %swap3A_256 = tpu.vector_load %arg16[%swap3A] {strides = array<i32>} : memref<1024xi32, #tpu.memory_space<vmem>>, vector<16xi32>,
        tpu.vector_store %arg16[%swap3A], %select_n3A_255 {strides = array<i32>} : memref<1024xi32, #tpu.memory_space<vmem>>, vector<16xi32>,
      }
      %while3A_241 = arith.constant 1 : i32
      scf.for %while3A_242 = %while3A_239 to %while3A_235 step %while3A_241  : i32 {
        %mul3A_243 = arith.muli %while3A_242, %while3A : i32
        %add3A_244 = arith.addi %mul3A_188, %mul3A_243 : i32
        %add3A_245 = arith.addi %multiple_of3A, %add3A_244 : i32
        %broadcast_in_dim3A_246 = vector.broadcast %add3A_245 : i32 to vector<16xi32>
        %add3A_247 = arith.addi %iota3A, %broadcast_in_dim3A_246 : vector<16xi32>
        %ge3A = arith.cmpi sge, %add3A_247, %broadcast_in_dim3A_165 : vector<16xi32>
        %lt3A_248 = arith.cmpi slt, %add3A_247, %broadcast_in_dim3A_166 : vector<16xi32>
        %and3A_249 = arith.andi %ge3A, %lt3A_248 : vector<16xi1>
        %add3A_250 = arith.addi %sub3A_225, %add3A_244 : i32
        %get3A_251 = arith.index_cast %add3A_250 : i32 to index
        %get3A_252 = tpu.vector_load %arg14[%get3A_251] {strides = array<i32>} : memref<4096xi32, #tpu.memory_space<vmem>>, vector<16xi32>,
        %get3A_253 = arith.index_cast %add3A_244 : i32 to index
        %get3A_254 = tpu.vector_load %arg16[%get3A_253] {strides = array<i32>} : memref<1024xi32, #tpu.memory_space<vmem>>, vector<16xi32>,
        %select_n3A_255 = arith.select %and3A_249, %get3A_252, %get3A_254 : vector<16xi1>, vector<16xi32>
        %swap3A = arith.index_cast %add3A_244 : i32 to index
        %swap3A_256 = tpu.vector_load %arg16[%swap3A] {strides = array<i32>} : memref<1024xi32, #tpu.memory_space<vmem>>, vector<16xi32>,
        tpu.vector_store %arg16[%swap3A], %select_n3A_255 {strides = array<i32>} : memref<1024xi32, #tpu.memory_space<vmem>>, vector<16xi32>,
      }
    } else {
    }
    %dma_start3A_100 = arith.constant 0 : i32
    %dma_start3A_101 = tpu.memref_slice %arg9[%multiple_of3A] : memref<32768xi32, #tpu.memory_space<hbm>> -> memref<1024xi32, #tpu.memory_space<hbm>>
    %dma_start3A_102 = tpu.memref_slice %arg23[%dma_start3A_100] : memref<4x!tpu.dma_semaphore, #tpu.memory_space<semaphore_mem>> -> memref<1x!tpu.dma_semaphore, #tpu.memory_space<semaphore_mem>>
    %dma_start3A_103 = tpu.memref_squeeze %dma_start3A_102 : memref<1x!tpu.dma_semaphore, #tpu.memory_space<semaphore_mem>> -> memref<!tpu.dma_semaphore, #tpu.memory_space<semaphore_mem>>
    %dma_start3A_104 = tpu.memref_slice %arg9[%multiple_of3A] : memref<32768xi32, #tpu.memory_space<hbm>> -> memref<1024xi32, #tpu.memory_space<hbm>>
    tpu.enqueue_dma source(%arg16 : memref<1024xi32, #tpu.memory_space<vmem>>) target(%dma_start3A_104 : memref<1024xi32, #tpu.memory_space<hbm>>) target_semaphore(%dma_start3A_103 : memref<!tpu.dma_semaphore, #tpu.memory_space<semaphore_mem>>)
    %dma_wait3A_105 = arith.constant 1 : i32
    %dma_wait3A_106 = tpu.memref_slice %arg5[%multiple_of3A] : memref<32768xi32, #tpu.memory_space<hbm>> -> memref<1024xi32, #tpu.memory_space<hbm>>
    %dma_wait3A_107 = tpu.memref_slice %arg22[%dma_wait3A_105] : memref<4x!tpu.dma_semaphore, #tpu.memory_space<semaphore_mem>> -> memref<1x!tpu.dma_semaphore, #tpu.memory_space<semaphore_mem>>
    %dma_wait3A_108 = tpu.memref_squeeze %dma_wait3A_107 : memref<1x!tpu.dma_semaphore, #tpu.memory_space<semaphore_mem>> -> memref<!tpu.dma_semaphore, #tpu.memory_space<semaphore_mem>>
    %dma_wait3A_109 = tpu.memref_slice %arg5[%multiple_of3A] : memref<32768xi32, #tpu.memory_space<hbm>> -> memref<1024xi32, #tpu.memory_space<hbm>>
    tpu.wait_dma2 semaphore(%dma_wait3A_108 : memref<!tpu.dma_semaphore, #tpu.memory_space<semaphore_mem>>) src(%dma_wait3A_109 : memref<1024xi32, #tpu.memory_space<hbm>>) dst(%arg17 : memref<1024xi32, #tpu.memory_space<vmem>>)
    %convert_element_type3A_110 = arith.extui %and3A_65 : i1 to i32
    %cond3A_111 = arith.constant 0 : i32
    %cond3A_112 = arith.cmpi ne, %convert_element_type3A_110, %cond3A_111 : i32
    scf.if %cond3A_112 {
      %add3A_164 = arith.addi %reduce_max3A_44, %reduce_max3A_32 : i32
      %broadcast_in_dim3A_165 = vector.broadcast %reduce_max3A_44 : i32 to vector<16xi32>
      %broadcast_in_dim3A_166 = vector.broadcast %add3A_164 : i32 to vector<16xi32>
      %sub3A = arith.subi %reduce_max3A_44, %multiple_of3A : i32
      %max3A = arith.constant 0 : i32
      %max3A_167 = arith.maxsi %sub3A, %max3A : i32
      %jit3A = arith.constant 16 : i32
      %div3A = arith.divsi %max3A_167, %jit3A : i32
      %sign3A = arith.constant 0 : i32
      %sign3A_168 = arith.cmpi sgt, %max3A_167, %sign3A : i32
      %sign3A_169 = arith.extui %sign3A_168 : i1 to i32
      %sign3A_170 = arith.constant 0 : i32
      %sign3A_171 = arith.cmpi slt, %max3A_167, %sign3A_170 : i32
      %sign3A_172 = arith.extui %sign3A_171 : i1 to i32
      %sign3A_173 = arith.subi %sign3A_169, %sign3A_172 : i32
      %sign3A_174 = arith.constant 0 : i32
      %sign3A_175 = arith.cmpi sgt, %jit3A, %sign3A_174 : i32
      %sign3A_176 = arith.extui %sign3A_175 : i1 to i32
      %sign3A_177 = arith.constant 0 : i32
      %sign3A_178 = arith.cmpi slt, %jit3A, %sign3A_177 : i32
      %sign3A_179 = arith.extui %sign3A_178 : i1 to i32
      %sign3A_180 = arith.subi %sign3A_176, %sign3A_179 : i32
      %ne3A = arith.cmpi ne, %sign3A_173, %sign3A_180 : i32
      %rem3A = arith.remsi %max3A_167, %jit3A : i32
      %ne3A_181 = arith.constant 0 : i32
      %ne3A_182 = arith.cmpi ne, %rem3A, %ne3A_181 : i32
      %and3A_183 = arith.andi %ne3A, %ne3A_182 : i1
      %sub3A_184 = arith.constant 1 : i32
      %sub3A_185 = arith.subi %div3A, %sub3A_184 : i32
      %select_n3A_186 = arith.select %and3A_183, %sub3A_185, %div3A : i32
      %mul3A_187 = arith.constant 16 : i32
      %mul3A_188 = arith.muli %select_n3A_186, %mul3A_187 : i32
      %sub3A_189 = arith.subi %add3A_164, %multiple_of3A : i32
      %max3A_190 = arith.constant 0 : i32
      %max3A_191 = arith.maxsi %sub3A_189, %max3A_190 : i32
      %min3A = arith.constant 1024 : i32
      %min3A_192 = arith.minsi %max3A_191, %min3A : i32
      %add3A_193 = arith.constant 16 : i32
      %add3A_194 = arith.addi %min3A_192, %add3A_193 : i32
      %sub3A_195 = arith.constant 1 : i32
      %sub3A_196 = arith.subi %add3A_194, %sub3A_195 : i32
      %jit3A_197 = arith.constant 16 : i32
      %div3A_198 = arith.divsi %sub3A_196, %jit3A_197 : i32
      %sign3A_199 = arith.constant 0 : i32
      %sign3A_200 = arith.cmpi sgt, %sub3A_196, %sign3A_199 : i32
      %sign3A_201 = arith.extui %sign3A_200 : i1 to i32
      %sign3A_202 = arith.constant 0 : i32
      %sign3A_203 = arith.cmpi slt, %sub3A_196, %sign3A_202 : i32
      %sign3A_204 = arith.extui %sign3A_203 : i1 to i32
      %sign3A_205 = arith.subi %sign3A_201, %sign3A_204 : i32
      %sign3A_206 = arith.constant 0 : i32
      %sign3A_207 = arith.cmpi sgt, %jit3A_197, %sign3A_206 : i32
      %sign3A_208 = arith.extui %sign3A_207 : i1 to i32
      %sign3A_209 = arith.constant 0 : i32
      %sign3A_210 = arith.cmpi slt, %jit3A_197, %sign3A_209 : i32
      %sign3A_211 = arith.extui %sign3A_210 : i1 to i32
      %sign3A_212 = arith.subi %sign3A_208, %sign3A_211 : i32
      %ne3A_213 = arith.cmpi ne, %sign3A_205, %sign3A_212 : i32
      %rem3A_214 = arith.remsi %sub3A_196, %jit3A_197 : i32
      %ne3A_215 = arith.constant 0 : i32
      %ne3A_216 = arith.cmpi ne, %rem3A_214, %ne3A_215 : i32
      %and3A_217 = arith.andi %ne3A_213, %ne3A_216 : i1
      %sub3A_218 = arith.constant 1 : i32
      %sub3A_219 = arith.subi %div3A_198, %sub3A_218 : i32
      %select_n3A_220 = arith.select %and3A_217, %sub3A_219, %div3A_198 : i32
      %mul3A_221 = arith.constant 16 : i32
      %mul3A_222 = arith.muli %select_n3A_220, %mul3A_221 : i32
      %add3A_223 = arith.constant 1024 : i32
      %add3A_224 = arith.addi %add3A_223, %multiple_of3A : i32
      %sub3A_225 = arith.subi %add3A_224, %reduce_max3A_44 : i32
      %sub3A_226 = arith.subi %mul3A_222, %mul3A_188 : i32
      %sub3A_227 = arith.constant 16 : i32
      %sub3A_228 = arith.constant 1 : i32
      %sub3A_229 = arith.subi %sub3A_227, %sub3A_228 : i32
      %add3A_230 = arith.addi %sub3A_226, %sub3A_229 : i32
      %div3A_231 = arith.constant 16 : i32
      %div3A_232 = arith.divsi %add3A_230, %div3A_231 : i32
      %while3A = arith.constant 16 : i32
      %while3A_233 = arith.constant 0 : i32
      %while3A_234 = arith.subi %div3A_232, %while3A_233 : i32
      %while3A_235 = arith.addi %while3A_233, %while3A_234 : i32
      %while3A_236 = arith.constant 1 : i32
      %while3A_237 = arith.divsi %while3A_234, %while3A_236 : i32
      %while3A_238 = arith.muli %while3A_237, %while3A_236 : i32
      %while3A_239 = arith.addi %while3A_233, %while3A_238 : i32
      %while3A_240 = arith.constant 1 : i32
      scf.for %while3A_242 = %while3A_233 to %while3A_239 step %while3A_240  : i32 {
        %mul3A_243 = arith.muli %while3A_242, %while3A : i32
        %add3A_244 = arith.addi %mul3A_188, %mul3A_243 : i32
        %add3A_245 = arith.addi %multiple_of3A, %add3A_244 : i32
        %broadcast_in_dim3A_246 = vector.broadcast %add3A_245 : i32 to vector<16xi32>
        %add3A_247 = arith.addi %iota3A, %broadcast_in_dim3A_246 : vector<16xi32>
        %ge3A = arith.cmpi sge, %add3A_247, %broadcast_in_dim3A_165 : vector<16xi32>
        %lt3A_248 = arith.cmpi slt, %add3A_247, %broadcast_in_dim3A_166 : vector<16xi32>
        %and3A_249 = arith.andi %ge3A, %lt3A_248 : vector<16xi1>
        %add3A_250 = arith.addi %sub3A_225, %add3A_244 : i32
        %get3A_251 = arith.index_cast %add3A_250 : i32 to index
        %get3A_252 = tpu.vector_load %arg15[%get3A_251] {strides = array<i32>} : memref<4096xi32, #tpu.memory_space<vmem>>, vector<16xi32>,
        %get3A_253 = arith.index_cast %add3A_244 : i32 to index
        %get3A_254 = tpu.vector_load %arg17[%get3A_253] {strides = array<i32>} : memref<1024xi32, #tpu.memory_space<vmem>>, vector<16xi32>,
        %select_n3A_255 = arith.select %and3A_249, %get3A_252, %get3A_254 : vector<16xi1>, vector<16xi32>
        %swap3A = arith.index_cast %add3A_244 : i32 to index
        %swap3A_256 = tpu.vector_load %arg17[%swap3A] {strides = array<i32>} : memref<1024xi32, #tpu.memory_space<vmem>>, vector<16xi32>,
        tpu.vector_store %arg17[%swap3A], %select_n3A_255 {strides = array<i32>} : memref<1024xi32, #tpu.memory_space<vmem>>, vector<16xi32>,
      }
      %while3A_241 = arith.constant 1 : i32
      scf.for %while3A_242 = %while3A_239 to %while3A_235 step %while3A_241  : i32 {
        %mul3A_243 = arith.muli %while3A_242, %while3A : i32
        %add3A_244 = arith.addi %mul3A_188, %mul3A_243 : i32
        %add3A_245 = arith.addi %multiple_of3A, %add3A_244 : i32
        %broadcast_in_dim3A_246 = vector.broadcast %add3A_245 : i32 to vector<16xi32>
        %add3A_247 = arith.addi %iota3A, %broadcast_in_dim3A_246 : vector<16xi32>
        %ge3A = arith.cmpi sge, %add3A_247, %broadcast_in_dim3A_165 : vector<16xi32>
        %lt3A_248 = arith.cmpi slt, %add3A_247, %broadcast_in_dim3A_166 : vector<16xi32>
        %and3A_249 = arith.andi %ge3A, %lt3A_248 : vector<16xi1>
        %add3A_250 = arith.addi %sub3A_225, %add3A_244 : i32
        %get3A_251 = arith.index_cast %add3A_250 : i32 to index
        %get3A_252 = tpu.vector_load %arg15[%get3A_251] {strides = array<i32>} : memref<4096xi32, #tpu.memory_space<vmem>>, vector<16xi32>,
        %get3A_253 = arith.index_cast %add3A_244 : i32 to index
        %get3A_254 = tpu.vector_load %arg17[%get3A_253] {strides = array<i32>} : memref<1024xi32, #tpu.memory_space<vmem>>, vector<16xi32>,
        %select_n3A_255 = arith.select %and3A_249, %get3A_252, %get3A_254 : vector<16xi1>, vector<16xi32>
        %swap3A = arith.index_cast %add3A_244 : i32 to index
        %swap3A_256 = tpu.vector_load %arg17[%swap3A] {strides = array<i32>} : memref<1024xi32, #tpu.memory_space<vmem>>, vector<16xi32>,
        tpu.vector_store %arg17[%swap3A], %select_n3A_255 {strides = array<i32>} : memref<1024xi32, #tpu.memory_space<vmem>>, vector<16xi32>,
      }
    } else {
    }
    %dma_start3A_113 = arith.constant 1 : i32
    %dma_start3A_114 = tpu.memref_slice %arg10[%multiple_of3A] : memref<32768xi32, #tpu.memory_space<hbm>> -> memref<1024xi32, #tpu.memory_space<hbm>>
    %dma_start3A_115 = tpu.memref_slice %arg23[%dma_start3A_113] : memref<4x!tpu.dma_semaphore, #tpu.memory_space<semaphore_mem>> -> memref<1x!tpu.dma_semaphore, #tpu.memory_space<semaphore_mem>>
    %dma_start3A_116 = tpu.memref_squeeze %dma_start3A_115 : memref<1x!tpu.dma_semaphore, #tpu.memory_space<semaphore_mem>> -> memref<!tpu.dma_semaphore, #tpu.memory_space<semaphore_mem>>
    %dma_start3A_117 = tpu.memref_slice %arg10[%multiple_of3A] : memref<32768xi32, #tpu.memory_space<hbm>> -> memref<1024xi32, #tpu.memory_space<hbm>>
    tpu.enqueue_dma source(%arg17 : memref<1024xi32, #tpu.memory_space<vmem>>) target(%dma_start3A_117 : memref<1024xi32, #tpu.memory_space<hbm>>) target_semaphore(%dma_start3A_116 : memref<!tpu.dma_semaphore, #tpu.memory_space<semaphore_mem>>)
    %dma_wait3A_118 = arith.constant 2 : i32
    %dma_wait3A_119 = tpu.memref_slice %arg6[%multiple_of3A] : memref<32768xi32, #tpu.memory_space<hbm>> -> memref<1024xi32, #tpu.memory_space<hbm>>
    %dma_wait3A_120 = tpu.memref_slice %arg22[%dma_wait3A_118] : memref<4x!tpu.dma_semaphore, #tpu.memory_space<semaphore_mem>> -> memref<1x!tpu.dma_semaphore, #tpu.memory_space<semaphore_mem>>
    %dma_wait3A_121 = tpu.memref_squeeze %dma_wait3A_120 : memref<1x!tpu.dma_semaphore, #tpu.memory_space<semaphore_mem>> -> memref<!tpu.dma_semaphore, #tpu.memory_space<semaphore_mem>>
    %dma_wait3A_122 = tpu.memref_slice %arg6[%multiple_of3A] : memref<32768xi32, #tpu.memory_space<hbm>> -> memref<1024xi32, #tpu.memory_space<hbm>>
    tpu.wait_dma2 semaphore(%dma_wait3A_121 : memref<!tpu.dma_semaphore, #tpu.memory_space<semaphore_mem>>) src(%dma_wait3A_122 : memref<1024xi32, #tpu.memory_space<hbm>>) dst(%arg18 : memref<1024xi32, #tpu.memory_space<vmem>>)
    %convert_element_type3A_123 = arith.extui %and3A_71 : i1 to i32
    %cond3A_124 = arith.constant 0 : i32
    %cond3A_125 = arith.cmpi ne, %convert_element_type3A_123, %cond3A_124 : i32
    scf.if %cond3A_125 {
      %add3A_164 = arith.addi %reduce_max3A_56, %reduce_max3A_32 : i32
      %broadcast_in_dim3A_165 = vector.broadcast %reduce_max3A_56 : i32 to vector<16xi32>
      %broadcast_in_dim3A_166 = vector.broadcast %add3A_164 : i32 to vector<16xi32>
      %sub3A = arith.subi %reduce_max3A_56, %multiple_of3A : i32
      %max3A = arith.constant 0 : i32
      %max3A_167 = arith.maxsi %sub3A, %max3A : i32
      %jit3A = arith.constant 16 : i32
      %div3A = arith.divsi %max3A_167, %jit3A : i32
      %sign3A = arith.constant 0 : i32
      %sign3A_168 = arith.cmpi sgt, %max3A_167, %sign3A : i32
      %sign3A_169 = arith.extui %sign3A_168 : i1 to i32
      %sign3A_170 = arith.constant 0 : i32
      %sign3A_171 = arith.cmpi slt, %max3A_167, %sign3A_170 : i32
      %sign3A_172 = arith.extui %sign3A_171 : i1 to i32
      %sign3A_173 = arith.subi %sign3A_169, %sign3A_172 : i32
      %sign3A_174 = arith.constant 0 : i32
      %sign3A_175 = arith.cmpi sgt, %jit3A, %sign3A_174 : i32
      %sign3A_176 = arith.extui %sign3A_175 : i1 to i32
      %sign3A_177 = arith.constant 0 : i32
      %sign3A_178 = arith.cmpi slt, %jit3A, %sign3A_177 : i32
      %sign3A_179 = arith.extui %sign3A_178 : i1 to i32
      %sign3A_180 = arith.subi %sign3A_176, %sign3A_179 : i32
      %ne3A = arith.cmpi ne, %sign3A_173, %sign3A_180 : i32
      %rem3A = arith.remsi %max3A_167, %jit3A : i32
      %ne3A_181 = arith.constant 0 : i32
      %ne3A_182 = arith.cmpi ne, %rem3A, %ne3A_181 : i32
      %and3A_183 = arith.andi %ne3A, %ne3A_182 : i1
      %sub3A_184 = arith.constant 1 : i32
      %sub3A_185 = arith.subi %div3A, %sub3A_184 : i32
      %select_n3A_186 = arith.select %and3A_183, %sub3A_185, %div3A : i32
      %mul3A_187 = arith.constant 16 : i32
      %mul3A_188 = arith.muli %select_n3A_186, %mul3A_187 : i32
      %sub3A_189 = arith.subi %add3A_164, %multiple_of3A : i32
      %max3A_190 = arith.constant 0 : i32
      %max3A_191 = arith.maxsi %sub3A_189, %max3A_190 : i32
      %min3A = arith.constant 1024 : i32
      %min3A_192 = arith.minsi %max3A_191, %min3A : i32
      %add3A_193 = arith.constant 16 : i32
      %add3A_194 = arith.addi %min3A_192, %add3A_193 : i32
      %sub3A_195 = arith.constant 1 : i32
      %sub3A_196 = arith.subi %add3A_194, %sub3A_195 : i32
      %jit3A_197 = arith.constant 16 : i32
      %div3A_198 = arith.divsi %sub3A_196, %jit3A_197 : i32
      %sign3A_199 = arith.constant 0 : i32
      %sign3A_200 = arith.cmpi sgt, %sub3A_196, %sign3A_199 : i32
      %sign3A_201 = arith.extui %sign3A_200 : i1 to i32
      %sign3A_202 = arith.constant 0 : i32
      %sign3A_203 = arith.cmpi slt, %sub3A_196, %sign3A_202 : i32
      %sign3A_204 = arith.extui %sign3A_203 : i1 to i32
      %sign3A_205 = arith.subi %sign3A_201, %sign3A_204 : i32
      %sign3A_206 = arith.constant 0 : i32
      %sign3A_207 = arith.cmpi sgt, %jit3A_197, %sign3A_206 : i32
      %sign3A_208 = arith.extui %sign3A_207 : i1 to i32
      %sign3A_209 = arith.constant 0 : i32
      %sign3A_210 = arith.cmpi slt, %jit3A_197, %sign3A_209 : i32
      %sign3A_211 = arith.extui %sign3A_210 : i1 to i32
      %sign3A_212 = arith.subi %sign3A_208, %sign3A_211 : i32
      %ne3A_213 = arith.cmpi ne, %sign3A_205, %sign3A_212 : i32
      %rem3A_214 = arith.remsi %sub3A_196, %jit3A_197 : i32
      %ne3A_215 = arith.constant 0 : i32
      %ne3A_216 = arith.cmpi ne, %rem3A_214, %ne3A_215 : i32
      %and3A_217 = arith.andi %ne3A_213, %ne3A_216 : i1
      %sub3A_218 = arith.constant 1 : i32
      %sub3A_219 = arith.subi %div3A_198, %sub3A_218 : i32
      %select_n3A_220 = arith.select %and3A_217, %sub3A_219, %div3A_198 : i32
      %mul3A_221 = arith.constant 16 : i32
      %mul3A_222 = arith.muli %select_n3A_220, %mul3A_221 : i32
      %add3A_223 = arith.constant 1024 : i32
      %add3A_224 = arith.addi %add3A_223, %multiple_of3A : i32
      %sub3A_225 = arith.subi %add3A_224, %reduce_max3A_56 : i32
      %sub3A_226 = arith.subi %mul3A_222, %mul3A_188 : i32
      %sub3A_227 = arith.constant 16 : i32
      %sub3A_228 = arith.constant 1 : i32
      %sub3A_229 = arith.subi %sub3A_227, %sub3A_228 : i32
      %add3A_230 = arith.addi %sub3A_226, %sub3A_229 : i32
      %div3A_231 = arith.constant 16 : i32
      %div3A_232 = arith.divsi %add3A_230, %div3A_231 : i32
      %while3A = arith.constant 16 : i32
      %while3A_233 = arith.constant 0 : i32
      %while3A_234 = arith.subi %div3A_232, %while3A_233 : i32
      %while3A_235 = arith.addi %while3A_233, %while3A_234 : i32
      %while3A_236 = arith.constant 1 : i32
      %while3A_237 = arith.divsi %while3A_234, %while3A_236 : i32
      %while3A_238 = arith.muli %while3A_237, %while3A_236 : i32
      %while3A_239 = arith.addi %while3A_233, %while3A_238 : i32
      %while3A_240 = arith.constant 1 : i32
      scf.for %while3A_242 = %while3A_233 to %while3A_239 step %while3A_240  : i32 {
        %mul3A_243 = arith.muli %while3A_242, %while3A : i32
        %add3A_244 = arith.addi %mul3A_188, %mul3A_243 : i32
        %add3A_245 = arith.addi %multiple_of3A, %add3A_244 : i32
        %broadcast_in_dim3A_246 = vector.broadcast %add3A_245 : i32 to vector<16xi32>
        %add3A_247 = arith.addi %iota3A, %broadcast_in_dim3A_246 : vector<16xi32>
        %ge3A = arith.cmpi sge, %add3A_247, %broadcast_in_dim3A_165 : vector<16xi32>
        %lt3A_248 = arith.cmpi slt, %add3A_247, %broadcast_in_dim3A_166 : vector<16xi32>
        %and3A_249 = arith.andi %ge3A, %lt3A_248 : vector<16xi1>
        %add3A_250 = arith.addi %sub3A_225, %add3A_244 : i32
        %get3A_251 = arith.index_cast %add3A_250 : i32 to index
        %get3A_252 = tpu.vector_load %arg14[%get3A_251] {strides = array<i32>} : memref<4096xi32, #tpu.memory_space<vmem>>, vector<16xi32>,
        %get3A_253 = arith.index_cast %add3A_244 : i32 to index
        %get3A_254 = tpu.vector_load %arg18[%get3A_253] {strides = array<i32>} : memref<1024xi32, #tpu.memory_space<vmem>>, vector<16xi32>,
        %select_n3A_255 = arith.select %and3A_249, %get3A_252, %get3A_254 : vector<16xi1>, vector<16xi32>
        %swap3A = arith.index_cast %add3A_244 : i32 to index
        %swap3A_256 = tpu.vector_load %arg18[%swap3A] {strides = array<i32>} : memref<1024xi32, #tpu.memory_space<vmem>>, vector<16xi32>,
        tpu.vector_store %arg18[%swap3A], %select_n3A_255 {strides = array<i32>} : memref<1024xi32, #tpu.memory_space<vmem>>, vector<16xi32>,
      }
      %while3A_241 = arith.constant 1 : i32
      scf.for %while3A_242 = %while3A_239 to %while3A_235 step %while3A_241  : i32 {
        %mul3A_243 = arith.muli %while3A_242, %while3A : i32
        %add3A_244 = arith.addi %mul3A_188, %mul3A_243 : i32
        %add3A_245 = arith.addi %multiple_of3A, %add3A_244 : i32
        %broadcast_in_dim3A_246 = vector.broadcast %add3A_245 : i32 to vector<16xi32>
        %add3A_247 = arith.addi %iota3A, %broadcast_in_dim3A_246 : vector<16xi32>
        %ge3A = arith.cmpi sge, %add3A_247, %broadcast_in_dim3A_165 : vector<16xi32>
        %lt3A_248 = arith.cmpi slt, %add3A_247, %broadcast_in_dim3A_166 : vector<16xi32>
        %and3A_249 = arith.andi %ge3A, %lt3A_248 : vector<16xi1>
        %add3A_250 = arith.addi %sub3A_225, %add3A_244 : i32
        %get3A_251 = arith.index_cast %add3A_250 : i32 to index
        %get3A_252 = tpu.vector_load %arg14[%get3A_251] {strides = array<i32>} : memref<4096xi32, #tpu.memory_space<vmem>>, vector<16xi32>,
        %get3A_253 = arith.index_cast %add3A_244 : i32 to index
        %get3A_254 = tpu.vector_load %arg18[%get3A_253] {strides = array<i32>} : memref<1024xi32, #tpu.memory_space<vmem>>, vector<16xi32>,
        %select_n3A_255 = arith.select %and3A_249, %get3A_252, %get3A_254 : vector<16xi1>, vector<16xi32>
        %swap3A = arith.index_cast %add3A_244 : i32 to index
        %swap3A_256 = tpu.vector_load %arg18[%swap3A] {strides = array<i32>} : memref<1024xi32, #tpu.memory_space<vmem>>, vector<16xi32>,
        tpu.vector_store %arg18[%swap3A], %select_n3A_255 {strides = array<i32>} : memref<1024xi32, #tpu.memory_space<vmem>>, vector<16xi32>,
      }
    } else {
    }
    %dma_start3A_126 = arith.constant 2 : i32
    %dma_start3A_127 = tpu.memref_slice %arg11[%multiple_of3A] : memref<32768xi32, #tpu.memory_space<hbm>> -> memref<1024xi32, #tpu.memory_space<hbm>>
    %dma_start3A_128 = tpu.memref_slice %arg23[%dma_start3A_126] : memref<4x!tpu.dma_semaphore, #tpu.memory_space<semaphore_mem>> -> memref<1x!tpu.dma_semaphore, #tpu.memory_space<semaphore_mem>>
    %dma_start3A_129 = tpu.memref_squeeze %dma_start3A_128 : memref<1x!tpu.dma_semaphore, #tpu.memory_space<semaphore_mem>> -> memref<!tpu.dma_semaphore, #tpu.memory_space<semaphore_mem>>
    %dma_start3A_130 = tpu.memref_slice %arg11[%multiple_of3A] : memref<32768xi32, #tpu.memory_space<hbm>> -> memref<1024xi32, #tpu.memory_space<hbm>>
    tpu.enqueue_dma source(%arg18 : memref<1024xi32, #tpu.memory_space<vmem>>) target(%dma_start3A_130 : memref<1024xi32, #tpu.memory_space<hbm>>) target_semaphore(%dma_start3A_129 : memref<!tpu.dma_semaphore, #tpu.memory_space<semaphore_mem>>)
    %dma_wait3A_131 = arith.constant 3 : i32
    %dma_wait3A_132 = tpu.memref_slice %arg7[%multiple_of3A] : memref<32768xi32, #tpu.memory_space<hbm>> -> memref<1024xi32, #tpu.memory_space<hbm>>
    %dma_wait3A_133 = tpu.memref_slice %arg22[%dma_wait3A_131] : memref<4x!tpu.dma_semaphore, #tpu.memory_space<semaphore_mem>> -> memref<1x!tpu.dma_semaphore, #tpu.memory_space<semaphore_mem>>
    %dma_wait3A_134 = tpu.memref_squeeze %dma_wait3A_133 : memref<1x!tpu.dma_semaphore, #tpu.memory_space<semaphore_mem>> -> memref<!tpu.dma_semaphore, #tpu.memory_space<semaphore_mem>>
    %dma_wait3A_135 = tpu.memref_slice %arg7[%multiple_of3A] : memref<32768xi32, #tpu.memory_space<hbm>> -> memref<1024xi32, #tpu.memory_space<hbm>>
    tpu.wait_dma2 semaphore(%dma_wait3A_134 : memref<!tpu.dma_semaphore, #tpu.memory_space<semaphore_mem>>) src(%dma_wait3A_135 : memref<1024xi32, #tpu.memory_space<hbm>>) dst(%arg19 : memref<1024xi32, #tpu.memory_space<vmem>>)
    %convert_element_type3A_136 = arith.extui %and3A_77 : i1 to i32
    %cond3A_137 = arith.constant 0 : i32
    %cond3A_138 = arith.cmpi ne, %convert_element_type3A_136, %cond3A_137 : i32
    scf.if %cond3A_138 {
      %add3A_164 = arith.addi %reduce_max3A_56, %reduce_max3A_32 : i32
      %broadcast_in_dim3A_165 = vector.broadcast %reduce_max3A_56 : i32 to vector<16xi32>
      %broadcast_in_dim3A_166 = vector.broadcast %add3A_164 : i32 to vector<16xi32>
      %sub3A = arith.subi %reduce_max3A_56, %multiple_of3A : i32
      %max3A = arith.constant 0 : i32
      %max3A_167 = arith.maxsi %sub3A, %max3A : i32
      %jit3A = arith.constant 16 : i32
      %div3A = arith.divsi %max3A_167, %jit3A : i32
      %sign3A = arith.constant 0 : i32
      %sign3A_168 = arith.cmpi sgt, %max3A_167, %sign3A : i32
      %sign3A_169 = arith.extui %sign3A_168 : i1 to i32
      %sign3A_170 = arith.constant 0 : i32
      %sign3A_171 = arith.cmpi slt, %max3A_167, %sign3A_170 : i32
      %sign3A_172 = arith.extui %sign3A_171 : i1 to i32
      %sign3A_173 = arith.subi %sign3A_169, %sign3A_172 : i32
      %sign3A_174 = arith.constant 0 : i32
      %sign3A_175 = arith.cmpi sgt, %jit3A, %sign3A_174 : i32
      %sign3A_176 = arith.extui %sign3A_175 : i1 to i32
      %sign3A_177 = arith.constant 0 : i32
      %sign3A_178 = arith.cmpi slt, %jit3A, %sign3A_177 : i32
      %sign3A_179 = arith.extui %sign3A_178 : i1 to i32
      %sign3A_180 = arith.subi %sign3A_176, %sign3A_179 : i32
      %ne3A = arith.cmpi ne, %sign3A_173, %sign3A_180 : i32
      %rem3A = arith.remsi %max3A_167, %jit3A : i32
      %ne3A_181 = arith.constant 0 : i32
      %ne3A_182 = arith.cmpi ne, %rem3A, %ne3A_181 : i32
      %and3A_183 = arith.andi %ne3A, %ne3A_182 : i1
      %sub3A_184 = arith.constant 1 : i32
      %sub3A_185 = arith.subi %div3A, %sub3A_184 : i32
      %select_n3A_186 = arith.select %and3A_183, %sub3A_185, %div3A : i32
      %mul3A_187 = arith.constant 16 : i32
      %mul3A_188 = arith.muli %select_n3A_186, %mul3A_187 : i32
      %sub3A_189 = arith.subi %add3A_164, %multiple_of3A : i32
      %max3A_190 = arith.constant 0 : i32
      %max3A_191 = arith.maxsi %sub3A_189, %max3A_190 : i32
      %min3A = arith.constant 1024 : i32
      %min3A_192 = arith.minsi %max3A_191, %min3A : i32
      %add3A_193 = arith.constant 16 : i32
      %add3A_194 = arith.addi %min3A_192, %add3A_193 : i32
      %sub3A_195 = arith.constant 1 : i32
      %sub3A_196 = arith.subi %add3A_194, %sub3A_195 : i32
      %jit3A_197 = arith.constant 16 : i32
      %div3A_198 = arith.divsi %sub3A_196, %jit3A_197 : i32
      %sign3A_199 = arith.constant 0 : i32
      %sign3A_200 = arith.cmpi sgt, %sub3A_196, %sign3A_199 : i32
      %sign3A_201 = arith.extui %sign3A_200 : i1 to i32
      %sign3A_202 = arith.constant 0 : i32
      %sign3A_203 = arith.cmpi slt, %sub3A_196, %sign3A_202 : i32
      %sign3A_204 = arith.extui %sign3A_203 : i1 to i32
      %sign3A_205 = arith.subi %sign3A_201, %sign3A_204 : i32
      %sign3A_206 = arith.constant 0 : i32
      %sign3A_207 = arith.cmpi sgt, %jit3A_197, %sign3A_206 : i32
      %sign3A_208 = arith.extui %sign3A_207 : i1 to i32
      %sign3A_209 = arith.constant 0 : i32
      %sign3A_210 = arith.cmpi slt, %jit3A_197, %sign3A_209 : i32
      %sign3A_211 = arith.extui %sign3A_210 : i1 to i32
      %sign3A_212 = arith.subi %sign3A_208, %sign3A_211 : i32
      %ne3A_213 = arith.cmpi ne, %sign3A_205, %sign3A_212 : i32
      %rem3A_214 = arith.remsi %sub3A_196, %jit3A_197 : i32
      %ne3A_215 = arith.constant 0 : i32
      %ne3A_216 = arith.cmpi ne, %rem3A_214, %ne3A_215 : i32
      %and3A_217 = arith.andi %ne3A_213, %ne3A_216 : i1
      %sub3A_218 = arith.constant 1 : i32
      %sub3A_219 = arith.subi %div3A_198, %sub3A_218 : i32
      %select_n3A_220 = arith.select %and3A_217, %sub3A_219, %div3A_198 : i32
      %mul3A_221 = arith.constant 16 : i32
      %mul3A_222 = arith.muli %select_n3A_220, %mul3A_221 : i32
      %add3A_223 = arith.constant 1024 : i32
      %add3A_224 = arith.addi %add3A_223, %multiple_of3A : i32
      %sub3A_225 = arith.subi %add3A_224, %reduce_max3A_56 : i32
      %sub3A_226 = arith.subi %mul3A_222, %mul3A_188 : i32
      %sub3A_227 = arith.constant 16 : i32
      %sub3A_228 = arith.constant 1 : i32
      %sub3A_229 = arith.subi %sub3A_227, %sub3A_228 : i32
      %add3A_230 = arith.addi %sub3A_226, %sub3A_229 : i32
      %div3A_231 = arith.constant 16 : i32
      %div3A_232 = arith.divsi %add3A_230, %div3A_231 : i32
      %while3A = arith.constant 16 : i32
      %while3A_233 = arith.constant 0 : i32
      %while3A_234 = arith.subi %div3A_232, %while3A_233 : i32
      %while3A_235 = arith.addi %while3A_233, %while3A_234 : i32
      %while3A_236 = arith.constant 1 : i32
      %while3A_237 = arith.divsi %while3A_234, %while3A_236 : i32
      %while3A_238 = arith.muli %while3A_237, %while3A_236 : i32
      %while3A_239 = arith.addi %while3A_233, %while3A_238 : i32
      %while3A_240 = arith.constant 1 : i32
      scf.for %while3A_242 = %while3A_233 to %while3A_239 step %while3A_240  : i32 {
        %mul3A_243 = arith.muli %while3A_242, %while3A : i32
        %add3A_244 = arith.addi %mul3A_188, %mul3A_243 : i32
        %add3A_245 = arith.addi %multiple_of3A, %add3A_244 : i32
        %broadcast_in_dim3A_246 = vector.broadcast %add3A_245 : i32 to vector<16xi32>
        %add3A_247 = arith.addi %iota3A, %broadcast_in_dim3A_246 : vector<16xi32>
        %ge3A = arith.cmpi sge, %add3A_247, %broadcast_in_dim3A_165 : vector<16xi32>
        %lt3A_248 = arith.cmpi slt, %add3A_247, %broadcast_in_dim3A_166 : vector<16xi32>
        %and3A_249 = arith.andi %ge3A, %lt3A_248 : vector<16xi1>
        %add3A_250 = arith.addi %sub3A_225, %add3A_244 : i32
        %get3A_251 = arith.index_cast %add3A_250 : i32 to index
        %get3A_252 = tpu.vector_load %arg15[%get3A_251] {strides = array<i32>} : memref<4096xi32, #tpu.memory_space<vmem>>, vector<16xi32>,
        %get3A_253 = arith.index_cast %add3A_244 : i32 to index
        %get3A_254 = tpu.vector_load %arg19[%get3A_253] {strides = array<i32>} : memref<1024xi32, #tpu.memory_space<vmem>>, vector<16xi32>,
        %select_n3A_255 = arith.select %and3A_249, %get3A_252, %get3A_254 : vector<16xi1>, vector<16xi32>
        %swap3A = arith.index_cast %add3A_244 : i32 to index
        %swap3A_256 = tpu.vector_load %arg19[%swap3A] {strides = array<i32>} : memref<1024xi32, #tpu.memory_space<vmem>>, vector<16xi32>,
        tpu.vector_store %arg19[%swap3A], %select_n3A_255 {strides = array<i32>} : memref<1024xi32, #tpu.memory_space<vmem>>, vector<16xi32>,
      }
      %while3A_241 = arith.constant 1 : i32
      scf.for %while3A_242 = %while3A_239 to %while3A_235 step %while3A_241  : i32 {
        %mul3A_243 = arith.muli %while3A_242, %while3A : i32
        %add3A_244 = arith.addi %mul3A_188, %mul3A_243 : i32
        %add3A_245 = arith.addi %multiple_of3A, %add3A_244 : i32
        %broadcast_in_dim3A_246 = vector.broadcast %add3A_245 : i32 to vector<16xi32>
        %add3A_247 = arith.addi %iota3A, %broadcast_in_dim3A_246 : vector<16xi32>
        %ge3A = arith.cmpi sge, %add3A_247, %broadcast_in_dim3A_165 : vector<16xi32>
        %lt3A_248 = arith.cmpi slt, %add3A_247, %broadcast_in_dim3A_166 : vector<16xi32>
        %and3A_249 = arith.andi %ge3A, %lt3A_248 : vector<16xi1>
        %add3A_250 = arith.addi %sub3A_225, %add3A_244 : i32
        %get3A_251 = arith.index_cast %add3A_250 : i32 to index
        %get3A_252 = tpu.vector_load %arg15[%get3A_251] {strides = array<i32>} : memref<4096xi32, #tpu.memory_space<vmem>>, vector<16xi32>,
        %get3A_253 = arith.index_cast %add3A_244 : i32 to index
        %get3A_254 = tpu.vector_load %arg19[%get3A_253] {strides = array<i32>} : memref<1024xi32, #tpu.memory_space<vmem>>, vector<16xi32>,
        %select_n3A_255 = arith.select %and3A_249, %get3A_252, %get3A_254 : vector<16xi1>, vector<16xi32>
        %swap3A = arith.index_cast %add3A_244 : i32 to index
        %swap3A_256 = tpu.vector_load %arg19[%swap3A] {strides = array<i32>} : memref<1024xi32, #tpu.memory_space<vmem>>, vector<16xi32>,
        tpu.vector_store %arg19[%swap3A], %select_n3A_255 {strides = array<i32>} : memref<1024xi32, #tpu.memory_space<vmem>>, vector<16xi32>,
      }
    } else {
    }
    %dma_start3A_139 = arith.constant 3 : i32
    %dma_start3A_140 = tpu.memref_slice %arg12[%multiple_of3A] : memref<32768xi32, #tpu.memory_space<hbm>> -> memref<1024xi32, #tpu.memory_space<hbm>>
    %dma_start3A_141 = tpu.memref_slice %arg23[%dma_start3A_139] : memref<4x!tpu.dma_semaphore, #tpu.memory_space<semaphore_mem>> -> memref<1x!tpu.dma_semaphore, #tpu.memory_space<semaphore_mem>>
    %dma_start3A_142 = tpu.memref_squeeze %dma_start3A_141 : memref<1x!tpu.dma_semaphore, #tpu.memory_space<semaphore_mem>> -> memref<!tpu.dma_semaphore, #tpu.memory_space<semaphore_mem>>
    %dma_start3A_143 = tpu.memref_slice %arg12[%multiple_of3A] : memref<32768xi32, #tpu.memory_space<hbm>> -> memref<1024xi32, #tpu.memory_space<hbm>>
    tpu.enqueue_dma source(%arg19 : memref<1024xi32, #tpu.memory_space<vmem>>) target(%dma_start3A_143 : memref<1024xi32, #tpu.memory_space<hbm>>) target_semaphore(%dma_start3A_142 : memref<!tpu.dma_semaphore, #tpu.memory_space<semaphore_mem>>)
    %dma_wait3A_144 = arith.constant 0 : i32
    %dma_wait3A_145 = tpu.memref_slice %arg9[%multiple_of3A] : memref<32768xi32, #tpu.memory_space<hbm>> -> memref<1024xi32, #tpu.memory_space<hbm>>
    %dma_wait3A_146 = tpu.memref_slice %arg23[%dma_wait3A_144] : memref<4x!tpu.dma_semaphore, #tpu.memory_space<semaphore_mem>> -> memref<1x!tpu.dma_semaphore, #tpu.memory_space<semaphore_mem>>
    %dma_wait3A_147 = tpu.memref_squeeze %dma_wait3A_146 : memref<1x!tpu.dma_semaphore, #tpu.memory_space<semaphore_mem>> -> memref<!tpu.dma_semaphore, #tpu.memory_space<semaphore_mem>>
    %dma_wait3A_148 = tpu.memref_slice %arg9[%multiple_of3A] : memref<32768xi32, #tpu.memory_space<hbm>> -> memref<1024xi32, #tpu.memory_space<hbm>>
    tpu.wait_dma2 semaphore(%dma_wait3A_147 : memref<!tpu.dma_semaphore, #tpu.memory_space<semaphore_mem>>) src(%arg16 : memref<1024xi32, #tpu.memory_space<vmem>>) dst(%dma_wait3A_148 : memref<1024xi32, #tpu.memory_space<hbm>>)
    %dma_wait3A_149 = arith.constant 1 : i32
    %dma_wait3A_150 = tpu.memref_slice %arg10[%multiple_of3A] : memref<32768xi32, #tpu.memory_space<hbm>> -> memref<1024xi32, #tpu.memory_space<hbm>>
    %dma_wait3A_151 = tpu.memref_slice %arg23[%dma_wait3A_149] : memref<4x!tpu.dma_semaphore, #tpu.memory_space<semaphore_mem>> -> memref<1x!tpu.dma_semaphore, #tpu.memory_space<semaphore_mem>>
    %dma_wait3A_152 = tpu.memref_squeeze %dma_wait3A_151 : memref<1x!tpu.dma_semaphore, #tpu.memory_space<semaphore_mem>> -> memref<!tpu.dma_semaphore, #tpu.memory_space<semaphore_mem>>
    %dma_wait3A_153 = tpu.memref_slice %arg10[%multiple_of3A] : memref<32768xi32, #tpu.memory_space<hbm>> -> memref<1024xi32, #tpu.memory_space<hbm>>
    tpu.wait_dma2 semaphore(%dma_wait3A_152 : memref<!tpu.dma_semaphore, #tpu.memory_space<semaphore_mem>>) src(%arg17 : memref<1024xi32, #tpu.memory_space<vmem>>) dst(%dma_wait3A_153 : memref<1024xi32, #tpu.memory_space<hbm>>)
    %dma_wait3A_154 = arith.constant 2 : i32
    %dma_wait3A_155 = tpu.memref_slice %arg11[%multiple_of3A] : memref<32768xi32, #tpu.memory_space<hbm>> -> memref<1024xi32, #tpu.memory_space<hbm>>
    %dma_wait3A_156 = tpu.memref_slice %arg23[%dma_wait3A_154] : memref<4x!tpu.dma_semaphore, #tpu.memory_space<semaphore_mem>> -> memref<1x!tpu.dma_semaphore, #tpu.memory_space<semaphore_mem>>
    %dma_wait3A_157 = tpu.memref_squeeze %dma_wait3A_156 : memref<1x!tpu.dma_semaphore, #tpu.memory_space<semaphore_mem>> -> memref<!tpu.dma_semaphore, #tpu.memory_space<semaphore_mem>>
    %dma_wait3A_158 = tpu.memref_slice %arg11[%multiple_of3A] : memref<32768xi32, #tpu.memory_space<hbm>> -> memref<1024xi32, #tpu.memory_space<hbm>>
    tpu.wait_dma2 semaphore(%dma_wait3A_157 : memref<!tpu.dma_semaphore, #tpu.memory_space<semaphore_mem>>) src(%arg18 : memref<1024xi32, #tpu.memory_space<vmem>>) dst(%dma_wait3A_158 : memref<1024xi32, #tpu.memory_space<hbm>>)
    %dma_wait3A_159 = arith.constant 3 : i32
    %dma_wait3A_160 = tpu.memref_slice %arg12[%multiple_of3A] : memref<32768xi32, #tpu.memory_space<hbm>> -> memref<1024xi32, #tpu.memory_space<hbm>>
    %dma_wait3A_161 = tpu.memref_slice %arg23[%dma_wait3A_159] : memref<4x!tpu.dma_semaphore, #tpu.memory_space<semaphore_mem>> -> memref<1x!tpu.dma_semaphore, #tpu.memory_space<semaphore_mem>>
    %dma_wait3A_162 = tpu.memref_squeeze %dma_wait3A_161 : memref<1x!tpu.dma_semaphore, #tpu.memory_space<semaphore_mem>> -> memref<!tpu.dma_semaphore, #tpu.memory_space<semaphore_mem>>
    %dma_wait3A_163 = tpu.memref_slice %arg12[%multiple_of3A] : memref<32768xi32, #tpu.memory_space<hbm>> -> memref<1024xi32, #tpu.memory_space<hbm>>
    tpu.wait_dma2 semaphore(%dma_wait3A_162 : memref<!tpu.dma_semaphore, #tpu.memory_space<semaphore_mem>>) src(%arg19 : memref<1024xi32, #tpu.memory_space<vmem>>) dst(%dma_wait3A_163 : memref<1024xi32, #tpu.memory_space<hbm>>)
    return
  }
}

</mosaic_0001>

<sc_bundles>
// kernel: kernel.3.cloned.1.call-start
scs
__scs_entry_jumppad:
0x0: {  	(pc) =	sbr.rel $0x88, $3  }
0x1: {  	(tag) =	ssettag $0x0;
	lr =	simm.s32 $0x1  }
0x2: {  	[smem:$0x3F98] =	sst lr;
	_ =	strace $0xD0000000  }
0x3: {  	_ = 	snop  }
0x4: {  	_ = 	snop  }
0x5: {  	_ = 	snop  }
0x6: {  	_ = 	snop  }
0x7: {  	_ = 	snop  }
__scs_overlays_trampoline_lowered:
0x8: {  	[smem:$0x3FA7] =	sst s0  }
0x9: {  	[smem:$0x3FA8] =	sst s1  }
0xa: {  	[smem:$0x3FA9] =	sst s2  }
0xb: {  	[smem:$0x3FAA] =	sst s3  }
0xc: {  	[smem:$0x3FAB] =	sst s4  }
0xd: {  	[smem:$0x3FAC] =	sst s5  }
0xe: {  	[smem:$0x3FAD] =	sst s6  }
0xf: {  	[smem:$0x3FAE] =	sst s7  }
0x10: {  	[smem:$0x3FAF] =	sst s8  }
0x11: {  	[smem:$0x3FB0] =	sst s9;
	s0 =	simm.s32 @!p0 $0x0  }
0x12: {  	s1 =	sld [smem:$0x3F96];
	s0 =	simm.s32 @p0 $0x1  }
0x13: {  	[smem:$0x3FB1] =	sst s0;
	s0 =	simm.s32 @!p1 $0x0  }
0x14: {  	s2 =	sld [smem:$0x3F95];
	s0 =	simm.s32 @p1 $0x1  }
0x15: {  	[smem:$0x3FB2] =	sst s0;
	s0 =	simm.s32 @!p2 $0x0  }
0x16: {  	s3 =	sld [smem:$0x3FDB];
	s0 =	simm.s32 @p2 $0x1  }
0x17: {  	s4 =	simm.s32 $0x1BF5;
	[smem:$0x3FB4] =	sst s0  }
0x18: {  	s0 =	sld [smem:$0x3F97];
	_ =	swait.ge [sflag:s4], $0x0  }
0x19: {  	s7 =	sld [smem:$0x3F98]  }
0x1a: {  	s8 =	sadd.s32 $0xFFFFE003, lr  }
0x1b: {  	s9 =	sadd.s32 $0xFFFFFEF7, lr;
	s5 =	simm.s32 $0xFFFFFFFF;
	p2 =	slt.u32 s8, $0xFFFFF086  }
0x1c: {  	p1 =	slt.u32 s9, $0xF7A;
	s5 =	simm.s32 @!p2 $0x0  }
0x1d: {  	s5 =	simm.s32 @p1 $0x1;
	p0 =	seq.s32 s7, s2  }
0x1e: {  	s7 =	smul.u32 @!p0 $0xF7A, s2;
	p2 =	seq.s32 @!p0 s5, $0x0  }
0x1f: {  	s9 =	smul.u32 $0xF7A, s1;
	s8 =	simm.s32 @!p0 $0x1BF5;
	p2 =	por !p2, p0  }
0x20: {  	[sflag:s8] =	ssyncset.s32 @!p0 $0xFFFFF086;
	s6 =	sadd.s32 @!p0 s3, s7;
	s7 =	simm.s32 @!p0 $0x108  }
0x21: {  	s3 =	sadd.s32 s3, s9;
	s6 =	sadd.s32 @!p0 $0x88, s6;
	s7 =	simm.s32 @p2 $0x1082  }
0x22: {  	[simem:s7], [sflag:s8] =	dma.local @!p0 [hbm:s6], $0xF7A  }
0x23: {  	s9 =	sor.u32 $0xD0000000, s2;
	s6 =	simm.s32 $0x108;
	_ =	swait.ge @!p0 [sflag:s8], $0x0  }
0x24: {  	s3 =	sadd.s32 $0x88, s3;
	s6 =	simm.s32 @!p1 $0x1082;
	[sflag:s4] =	ssyncset.s32 $0xFFFFF086  }
0x25: {  	[simem:s6], [sflag:s4] =	dma.local [hbm:s3], $0xF7A  }
0x26: {  	[smem:$0x3F98] =	sst s1;
	(tag) =	ssettag s2;
	_ =	strace s9  }
0x27: {  	s1 =	sld [smem:$0x3FA8]  }
0x28: {  	s2 =	sld [smem:$0x3FA9]  }
0x29: {  	s4 =	sld [smem:$0x3FAB]  }
0x2a: {  	p0 =	seq.s32 s5, $0x0;
	s5 =	sld [smem:$0x3FAC]  }
0x2b: {  	s6 =	sld [smem:$0x3FAD]  }
0x2c: {  	s7 =	sld [smem:$0x3FAE]  }
0x2d: {  	s3 =	simm.s32 $0x108;
	s8 =	sld [smem:$0x3FAF]  }
0x2e: {  	s3 =	simm.s32 @!p0 $0x1082;
	s9 =	sld [smem:$0x3FB0]  }
0x2f: {  	lr =	sadd.s32 s0, s3;
	s0 =	sld [smem:$0x3FA7]  }
0x30: {  	s3 =	sld [smem:$0x3FAA]  }
0x31: {  	[smem:$0x3FB3] =	sst s10  }
0x32: {  	s10 =	sld [smem:$0x3FB1];
	_ =	sdelay $0x3  }
0x33: {  	p0 =	seq.s32 s10, $0x1;
	s10 =	sld [smem:$0x3FB3];
	_ =	sdelay $0x3  }
0x34: {  	[smem:$0x3FB3] =	sst s10  }
0x35: {  	s10 =	sld [smem:$0x3FB2];
	_ =	sdelay $0x3  }
0x36: {  	p1 =	seq.s32 s10, $0x1;
	s10 =	sld [smem:$0x3FB3];
	_ =	sdelay $0x3  }
0x37: {  	[smem:$0x3FB3] =	sst s10  }
0x38: {  	s10 =	sld [smem:$0x3FB4]  }
0x39: {  	_ = 	snop;
	(pc) =	sbr.ind lr, $3  }
0x3a: {  	_ = 	snop  }
0x3b: {  	_ = 	snop  }
0x3c: {  	p2 =	seq.s32 s10, $0x1;
	s10 =	sld [smem:$0x3FB3]  }
0x3d: {  	_ =	shalt  }
0x3e: {  	_ =	shalt  }
0x3f: {  	_ =	shalt  }
0x40: {  	_ =	shalt  }
0x41: {  	_ =	shalt  }
0x42: {  	_ =	shalt  }
0x43: {  	_ =	shalt  }
0x44: {  	_ =	shalt  }
0x45: {  	_ =	shalt  }
0x46: {  	_ =	shalt  }
0x47: {  	_ =	shalt  }
0x48: {  	_ =	shalt  }
0x49: {  	_ =	shalt  }
0x4a: {  	_ =	shalt  }
0x4b: {  	_ =	shalt  }
0x4c: {  	_ =	shalt  }
0x4d: {  	_ =	shalt  }
0x4e: {  	_ =	shalt  }
0x4f: {  	_ =	shalt  }
0x50: {  	_ =	shalt  }
0x51: {  	_ =	shalt  }
0x52: {  	_ =	shalt  }
0x53: {  	_ =	shalt  }
0x54: {  	_ =	shalt  }
0x55: {  	_ =	shalt  }
0x56: {  	_ =	shalt  }
0x57: {  	_ =	shalt  }
0x58: {  	_ =	shalt  }
0x59: {  	_ =	shalt  }
0x5a: {  	_ =	shalt  }
0x5b: {  	_ =	shalt  }
0x5c: {  	_ =	shalt  }
0x5d: {  	_ =	shalt  }
0x5e: {  	_ =	shalt  }
0x5f: {  	_ =	shalt  }
0x60: {  	_ =	shalt  }
0x61: {  	_ =	shalt  }
0x62: {  	_ =	shalt  }
0x63: {  	_ =	shalt  }
0x64: {  	_ =	shalt  }
0x65: {  	_ =	shalt  }
0x66: {  	_ =	shalt  }
0x67: {  	_ =	shalt  }
0x68: {  	_ =	shalt  }
0x69: {  	_ =	shalt  }
0x6a: {  	_ =	shalt  }
0x6b: {  	_ =	shalt  }
0x6c: {  	_ =	shalt  }
0x6d: {  	_ =	shalt  }
0x6e: {  	_ =	shalt  }
0x6f: {  	_ =	shalt  }
0x70: {  	_ =	shalt  }
0x71: {  	_ =	shalt  }
0x72: {  	_ =	shalt  }
0x73: {  	_ =	shalt  }
0x74: {  	_ =	shalt  }
0x75: {  	_ =	shalt  }
0x76: {  	_ =	shalt  }
0x77: {  	_ =	shalt  }
0x78: {  	_ =	shalt  }
0x79: {  	_ =	shalt  }
0x7a: {  	_ =	shalt  }
0x7b: {  	_ =	shalt  }
0x7c: {  	_ =	shalt  }
0x7d: {  	_ =	shalt  }
0x7e: {  	_ =	shalt  }
0x7f: {  	_ =	shalt  }
0x80: {  	_ =	shalt  }
0x81: {  	_ =	shalt  }
0x82: {  	_ =	shalt  }
0x83: {  	_ =	shalt  }
0x84: {  	_ =	shalt  }
0x85: {  	_ =	shalt  }
0x86: {  	_ =	shalt  }
0x87: {  	_ =	shalt  }
.Lfunc_end0:
.L_simem_size_0:
called_computation_lowered:
.L_overlay_start_0:
0x88: {  	s2 =	sld [smem:$0x3FD9]  }
0x89: {  	s3 =	sld [smem:$0x3FFE];
	_ =	sdelay $0x1  }
0x8a: {  	s1 =	srdreg.scid  }
0x8b: {  	s0 =	sand.u32 $0x1, s1  }
0x8c: {  	s30 =	sshll.u32 s0, $0xA;
	s2 =	sadd.s32 s3, s2  }
0x8d: {  	s2 =	sadd.s32 s2, s30  }
0x8e: {  	[smem:$0x3FBF] =	sst s2  }
0x8f: {  	_ = 	snop  }
0x90: {  	s2 =	sld [smem:$0x3FC9]  }
0x91: {  	s31 =	sld [smem:$0x3FC8]  }
0x92: {  	s4 =	sld [smem:$0x3FC6]  }
0x93: {  	s5 =	sld [smem:$0x3FD0]  }
0x94: {  	s6 =	sld [smem:$0x3FC5]  }
0x95: {  	s7 =	sld [smem:$0x3FC3]  }
0x96: {  	s9 =	simm.s32 $0xA;
	s10 =	simm.s32 $0x10;
	s8 =	sld [smem:$0x3FC2]  }
0x97: {  	[smem:s10], [sflag:s9] =	dma.local [hbm:s5], $0x1  }
0x98: {  	_ =	swait.eq [sflag:s9], $0x1  }
0x99: {  	s10 =	sld [smem:$0x10]  }
0x9a: {  	s17 =	sld [smem:$0x11];
	[sflag:s9] =	ssyncset.done $0x0  }
0x9b: {  	s11 =	sld [smem:$0x13];
	[sflag:s9] =	ssyncadd.s32 $0xFFFFFFFF  }
0x9c: {  	s18 =	sld [smem:$0x14];
	(tm) =	ssettm $0x1  }
0x9d: {  	s12 =	sld [smem:$0x3FFB];
	_ =	sdelay $0x3  }
0x9e: {  	_ =	strace s12  }
0x9f: {  	s12 =	sld [smem:$0x3FFC];
	_ =	sdelay $0x3  }
0xa0: {  	_ =	strace s12  }
0xa1: {  	s12 =	sld [smem:$0x3FFD];
	_ =	sdelay $0x3  }
0xa2: {  	_ =	strace s12  }
0xa3: {  	_ =	strace $0x8FFFFFFF  }
0xa4: {  	s19 =	sld [smem:$0x3FDB];
	_ =	sdelay $0x1  }
0xa5: {  	s13 =	simm.s32 $_scs_section_size  }
0xa6: {  	s14 =	simm.s32 $_size__tile_overlayer_lowered;
	s15 =	simm.s32 $_tile_overlayer_lowered  }
0xa7: {  	s22 =	simm.s32 $0x1BFF;
	s21 =	sshll.u32 s15, $0x1;
	s12 =	sadd.s32 s13, s19  }
0xa8: {  	s16 =	simm.s32 $0x0;
	s20 =	sshll.u32 s14, $0x1;
	s14 =	sadd.s32 s21, s12  }
0xa9: {  	[timem:s16], [sflag:s22] =	dma.local [hbm:s14], s20  }
0xaa: {  	_ =	swait.ge [sflag:s22], s20  }
0xab: {  	s13 =	ssub.s32 $0x0, s20;
	[sflag:s22] =	ssyncset.done $0x0  }
0xac: {  	[sflag:s22] =	ssyncadd.s32 s13;
	_ =	sdelay $0x1  }
0xad: {  	s23 =	simm.s32 $0x1B8B  }
0xae: {  	_ =	swait.ge [sflag:s23], $0x1  }
0xaf: {  	[sflag:s23] =	ssyncset.done $0x0  }
0xb0: {  	s25 =	simm.s32 $0x1B8E;
	s24 =	sld [smem:$0x3FFE];
	[sflag:s23] =	ssyncadd.s32 $0xFFFFFFFF  }
0xb1: {  	s26 =	simm.s32 $execute0_lowered;
	[smem:$0x3FD2] =	sst s25  }
0xb2: {  	s14 =	sshll.u32 s26, $0x1;
	_ =	strace $0x80000046;
	[dreg:$0x1] =	wrdreg $0xFFFFFFFF  }
0xb3: {  	s28 =	simm.s32 $_size_execute0_lowered;
	s12 =	sadd.s32 s12, s14;
	[dreg:$0x0] =	wrdreg $0x0  }
0xb4: {  	s14 =	sshll.u32 s28, $0x1;
	[dreg:$0x2] =	wrdreg s12  }
0xb5: {  	[dreg:$0x3] =	wrdreg s14  }
0xb6: {  	[dreg:$0x4] =	wrdreg $0xC0  }
0xb7: {  	_ =	task [dreg:s16], $0x5FFFF  }
0xb8: {  	[dreg:$0x1] =	wrdreg $0xFFFFFFFF  }
0xb9: {  	[dreg:$0x0] =	wrdreg $0x60  }
0xba: {  	[dreg:$0x2] =	wrdreg s2  }
0xbb: {  	[dreg:$0x3] =	wrdreg s31  }
0xbc: {  	[dreg:$0x4] =	wrdreg s4  }
0xbd: {  	[dreg:$0x5] =	wrdreg s6  }
0xbe: {  	[dreg:$0x6] =	wrdreg s7  }
0xbf: {  	[dreg:$0x7] =	wrdreg s8  }
0xc0: {  	[dreg:$0x8] =	wrdreg s24  }
0xc1: {  	[dreg:$0x9] =	wrdreg s10  }
0xc2: {  	[dreg:$0xa] =	wrdreg s17  }
0xc3: {  	[dreg:$0xb] =	wrdreg s11  }
0xc4: {  	[dreg:$0xc] =	wrdreg s18  }
0xc5: {  	[dreg:$0xd] =	wrdreg $0x9  }
0xc6: {  	_ =	task.clear_ibuf [dreg:s16], $0xEFFFF;
	_ =	strace $0x90000046  }
0xc7: {  	s29 =	simm.s32 $0x9;
	_ =	strace $0x80000048  }
0xc8: {  	_ =	swait.ge [sflag:s29], $0x1  }
0xc9: {  	[sflag:s29] =	ssyncadd.s32 $0xFFFFFFFF  }
0xca: {  	_ =	strace $0x90000048  }
0xcb: {  	_ =	sfence  }
0xcc: {  	s30 =	sld [smem:$0x0];
	_ =	sdelay $0x2  }
0xcd: {  	s31 =	sshll.u32 s1, $0xD;
	s1 =	sshrl.u32 s1, $0x2  }
0xce: {  	s3 =	sand.u32 $0x4000, s31;
	s1 =	sadd.s32 s1, s30  }
0xcf: {  	s0 =	sor.u32 s3, s0;
	s1 =	sshll.u32 s1, $0x11  }
0xd0: {  	s0 =	sor.u32 s1, s0  }
0xd1: {  	s0 =	sadd.s32 $0x8F2B, s0  }
0xd2: {  	[sflag:s0] =	ssyncadd.remote.s32 $0x1  }
0xd3: {  	_ =	sfence.sel $0xFFFF  }
0xd4: {  	[dreg:$0x0] =	wrdreg $0xFFFFFFFF;
	(pc) =	sbr.abs _section_cstart, $3  }
0xd5: {  	[dreg:$0x1] =	wrdreg $0xFFFFFFFF  }
0xd6: {  	_ =	task.clear_ibuf [dreg:s16], $0x2FFFF;
	_ =	strace $0x9FFFFFFF  }
0xd7: {  	(tm) =	ssettm $0x7FFFFFFF  }
tec
execute0_lowered:
.L_overlay_start_1:
0x0: {  	(tag) =	ssettag $0x1  }
0x1: {  	s0 =	rddreg [dreg:$0x2]  }
0x2: {  	s1 =	rddreg [dreg:$0x3]  }
0x3: {  	s2 =	rddreg [dreg:$0x4]  }
0x4: {  	s3 =	rddreg [dreg:$0x5]  }
0x5: {  	s6 =	rddreg [dreg:$0x6]  }
0x6: {  	s7 =	rddreg [dreg:$0x7]  }
0x7: {  	s8 =	rddreg [dreg:$0x8]  }
0x8: {  	s9 =	rddreg [dreg:$0x9]  }
0x9: {  	s10 =	rddreg [dreg:$0xa];
	s5 =	srdreg.scid  }
0xa: {  	s4 =	simm.s32 $0x0;
	s14 =	stileid.u32;
	s19 =	simm.s32 $0x2080  }
0xb: {  	s30 =	simm.s32 $0x2480;
	s28 =	simm.s32 $0x2C80;
	s31 =	simm.s32 $0x4  }
0xc: {  	s11 =	sand.u32 $0x1, s5;
	[smem:$0x7FF] =	sst s4;
	s21 =	sshll.u32 s14, $0xB  }
0xd: {  	s20 =	sadd.s32 $0xC00, s6;
	s23 =	sshll.u32 s14, $0xD;
	s12 =	sshll.u32 s11, $0xA  }
0xe: {  	_ =	strace $0x80000047;
	s13 =	ssub.s32 $0x2, s11;
	s5 =	sor.u32 s12, s21  }
0xf: {  	s24 =	sshll.u32 s11, $0xC;
	s22 =	sshrl.u32 s13, $0x1;
	s12 =	sshrl.u32 s5, $0x3  }
0x10: {  	s6 =	ssub.s32 s13, s22;
	s11 =	sadd.s32 $0x400, s5;
	s21 =	sadd.s32 s0, s12  }
0x11: {  	s15 =	sadd.s32 s1, s12;
	s22 =	sadd.s32 s2, s12;
	s16 =	sadd.s32 s3, s12  }
0x12: {  	s0 =	sor.u32 s24, s23;
	s25 =	sadd.s32 s7, s12;
	s17 =	sadd.s32 s8, s12  }
0x13: {  	s18 =	sadd.s32 s9, s12;
	s23 =	sadd.s32 s10, s12;
	s29 =	smax.u32 s6, $0x1  }
.Ltmp0:
0x14: {  	s2 =	simm.s32 $0x7;
	s0 =	sadd.s32 $0x1000, s0;
	(pc) =	sbr.rel .LBB2_1-.Ltmp0, $4  }
0x15: {  	s3 =	simm.s32 $0x8;
	s1 =	simm.s32 $0xA;
	s0 =	sshrl.u32 s0, $0x2  }
0x16: {  	s24 =	simm.s32 $0xB;
	[dreg:$0xc] =	wrdreg s25;
	s26 =	sor.u32 $0x80, s0  }
0x17: {  	vm0 =	vmmov $0x1;
	s25 =	simm.s32 $0x0;
	s0 =	sadd.s32 $0x1080, s0;
	[dreg:$0xd] =	wrdreg s26  }
0x18: {  	vm1 =	vcmask $0x308;
	vm2 =	vcmask $0x70C;
	v0 =	vlaneseq.u32;
	[dreg:$0xe] =	wrdreg s0;
	s26 =	simm.s32 $0x2880;
	s0 =	simm.s32 $0x9  }
.LBB2_28:
0x19: {  	s26 =	simm.s32 $0x2880  }
0x1a: {  	[hbm4b:s18+s4] =	stream.linear.scatter [tilespmem:s26], [sflag:$0xA], $0x400, $0x38;
	[tilespmem:$0x3080] =	vst v63  }
0x1b: {  	_ =	swait.ge [sflag:s2], $0x400  }
0x1c: {  	[sflag:s2] =	ssyncset.done $0x0  }
0x1d: {  	s28 =	simm.s32 $0x2C80;
	[sflag:s2] =	ssyncadd.s32 $0xFFFFFC00  }
.LBB2_29:
0x1e: {  	[hbm4b:s23+s4] =	stream.linear.scatter [tilespmem:s28], [sflag:$0xB], $0x400, $0x38;
	[tilespmem:$0x3080] =	vst v63  }
0x1f: {  	_ =	swait.ge [sflag:s3], $0x400  }
0x20: {  	[sflag:s3] =	ssyncset.done $0x0  }
0x21: {  	[sflag:s3] =	ssyncadd.s32 $0xFFFFFC00  }
0x22: {  	_ =	swait.ge [sflag:s0], $0x400  }
0x23: {  	[sflag:s0] =	ssyncset.done $0x0  }
0x24: {  	s25 =	sadd.s32 $0x1, s25;
	[sflag:s0] =	ssyncadd.s32 $0xFFFFFC00  }
0x25: {  	p0 =	sne.s32 s25, s29;
	_ =	swait.ge [sflag:s1], $0x400  }
.Ltmp1:
0x26: {  	[sflag:s1] =	ssyncset.done $0x0;
	(pc) =	sbr.rel @!p0 .LBB2_30-.Ltmp1, $4  }
0x27: {  	[sflag:s1] =	ssyncadd.s32 $0xFFFFFC00  }
0x28: {  	_ =	swait.ge [sflag:s24], $0x400  }
0x29: {  	[sflag:s24] =	ssyncset.done $0x0  }
0x2a: {  	[sflag:s24] =	ssyncadd.s32 $0xFFFFFC00  }
.LBB2_1:
0x2b: {  	[tilespmem:s4], [sflag:$0x1] =	stream.linear.gather [hbm4b:s20+s4], $0x80, $0x38;
	[tilespmem:$0x3080] =	vst v63  }
0x2c: {  	_ = 	snop  }
0x2d: {  	[tilespmem:s19], [sflag:$0x4] =	stream.linear.gather [hbm4b:s21+s4], $0x400, $0x38;
	[tilespmem:$0x3080] =	vst v63  }
0x2e: {  	_ = 	snop  }
0x2f: {  	[tilespmem:s30], [sflag:$0x5] =	stream.linear.gather [hbm4b:s15+s4], $0x400, $0x38;
	[tilespmem:$0x3080] =	vst v63  }
0x30: {  	_ = 	snop  }
0x31: {  	[tilespmem:s26], [sflag:$0x6] =	stream.linear.gather [hbm4b:s22+s4], $0x400, $0x38;
	[tilespmem:$0x3080] =	vst v63  }
0x32: {  	s6 =	simm.s32 $0x1  }
0x33: {  	[tilespmem:s28], [sflag:$0x7] =	stream.linear.gather [hbm4b:s16+s4], $0x400, $0x38;
	[tilespmem:$0x3080] =	vst v63  }
0x34: {  	_ =	swait.ge [sflag:s6], $0x80  }
0x35: {  	[sflag:s6] =	ssyncset.done $0x0  }
0x36: {  	[sflag:s6] =	ssyncadd.s32 $0xFFFFFF80  }
0x37: {  	v1 =	vld [tilespmem:$0x0];
	_ =	sdelay $0x4  }
0x38: {  	v2 =	vnsel vm0, $0x80000000, v1  }
0x39: {  	v3 =	vsel vm1, $0x80000000, v1;
	v2 =	vxor.u32 $0x80000000, v2  }
0x3a: {  	v1 =	vsel vm2, $0x80000000, v1;
	(xrf0) =	vmax.scan.msk.u32 $0xffff, v2;
	v2 =	vxor.u32 $0x80000000, v3  }
0x3b: {  	v1 =	vxor.u32 $0x80000000, v1;
	(xrf0) =	vmax.scan.msk.u32 $0xffff, v2  }
0x3c: {  	(xrf0) =	vmax.scan.msk.u32 $0xffff, v1;
	_ =	sdelay $0x3  }
0x3d: {  	v1, _, _ =	vpop (xrf0)  }
0x3e: {  	v2, _, _ =	vpop (xrf0);
	(v2sf) =	vpush v1, $0xF  }
0x3f: {  	(v2sf) =	vpush v2, $0xF;
	v1, _, _ =	vpop (xrf0)  }
0x40: {  	(v2sf) =	vpush v1, $0xF;
	_ =	sdelay $0xc  }
0x41: {  	s8 =	spop (v2sf)  }
0x42: {  	s7 =	spop (v2sf)  }
0x43: {  	s6 =	spop (v2sf)  }
0x44: {  	s9 =	sxor.u32 $0x80000000, s8;
	s8 =	sxor.u32 $0x80000000, s7;
	s26 =	sxor.u32 $0x80000000, s6  }
0x45: {  	p0 =	sgt.s32 s11, s8;
	s13 =	sadd.s32 s9, s8;
	s28 =	sadd.s32 s9, s26  }
0x46: {  	p1 =	sgt.s32 s13, s5;
	p2 =	sgt.s32 s11, s26;
	p3 =	sgt.s32 s28, s5  }
0x47: {  	p0 =	por !p0, !p1;
	p2 =	por !p2, !p3  }
0x48: {  	p1 =	por !p0, !p0;
	p0 =	por !p2, !p2  }
0x49: {  	p2 =	por p1, p0  }
0x4a: {  	s9 =	rddreg @p2 [dreg:$0x0];
	s10 =	simm.s32 @p2 $0x480  }
0x4b: {  	[tilespmem:s10], [sflag:$0x2] =	stream.linear.gather @p2 [hbm4b:s9+s4], $0x800, $0x38;
	[tilespmem:$0x3080] =	vst v63  }
0x4c: {  	s9 =	rddreg @p2 [dreg:$0x1];
	s10 =	simm.s32 @p2 $0x1480  }
0x4d: {  	[tilespmem:s10], [sflag:$0x3] =	stream.linear.gather @p2 [hbm4b:s9+s4], $0x800, $0x38;
	[tilespmem:$0x3080] =	vst v63  }
0x4e: {  	s9 =	simm.s32 @p2 $0x2  }
0x4f: {  	_ =	swait.ge @p2 [sflag:s9], $0x800  }
0x50: {  	[sflag:s9] =	ssyncset.done @p2 $0x0  }
0x51: {  	[sflag:s9] =	ssyncadd.s32 @p2 $0xFFFFF800;
	s9 =	simm.s32 @p2 $0x3  }
0x52: {  	_ =	swait.ge @p2 [sflag:s9], $0x800  }
0x53: {  	[sflag:s9] =	ssyncset.done @p2 $0x0  }
0x54: {  	[sflag:s9] =	ssyncadd.s32 @p2 $0xFFFFF800;
	s9 =	ssub.s32 @p1 s8, s5  }
0x55: {  	p2 =	sgt.s32 @p1 s9, $0x0  }
0x56: {  	p2 =	por !p2, !p1  }
0x57: {  	p3 =	slt.s32 @p1 s9, $0x1;
	s9 =	simm.s32 @p2 $0x0  }
0x58: {  	s10 =	sand.u32 @p1 $0xF, s9  }
0x59: {  	p2 =	sne.s32 @p1 s10, $0x0  }
0x5a: {  	p2 =	por @p1 !p3, !p2  }
0x5b: {  	p2 =	por @p1 !p2, !p2  }
0x5c: {  	s10 =	simm.s32 @p1 $0xFFFFFFFF;
	p2 =	por !p2, !p1  }
0x5d: {  	s12 =	ssub.s32 @p1 s13, s5;
	s10 =	simm.s32 @p2 $0x0  }
0x5e: {  	p2 =	slt.s32 @p1 s12, $0x400;
	s10 =	sshll.u32 @p1 s10, $0x4  }
0x5f: {  	p2 =	por !p2, !p1;
	s9 =	sadd.s32 @p1 s9, s10  }
0x60: {  	s12 =	simm.s32 @p2 $0x400;
	s14 =	sand.u32 @p1 $0xFFFFFFF0, s9  }
0x61: {  	s10 =	ssub.s32 @p1 s12, s14  }
0x62: {  	s12 =	sadd.s32 @p1 $0xF, s10  }
0x63: {  	s10 =	sor.u32 @p1 $0xF, s12  }
0x64: {  	p2 =	slt.s32 @p1 s10, $0x10  }
0x65: {  	p2 =	por !p1, p2  }
.Ltmp2:
0x66: {  	_ = 	snop;
	(pc) =	sbr.rel @p2 .LBB2_14-.Ltmp2, $4  }
0x67: {  	_ = 	snop  }
0x68: {  	_ =	swait.ge [sflag:s31], $0x400  }
0x69: {  	[sflag:s31] =	ssyncset.done $0x0  }
0x6a: {  	[sflag:s31] =	ssyncadd.s32 $0xFFFFFC00  }
0x6b: {  	s30 =	smov.u32 s29;
	s12 =	sshra.s32 @p1 s12, $0x1F  }
0x6c: {  	s29 =	smov.u32 s23;
	s9 =	sshll.u32 s9, $0x2;
	s12 =	sshrl.u32 @p1 s12, $0x1C  }
0x6d: {  	s7 =	sshll.u32 s7, $0x2;
	s9 =	sand.u32 $0xFFFFFFC0, s9;
	s12 =	sadd.s32 @p1 s12, s10  }
0x6e: {  	s10 =	sshra.s32 s9, $0x2;
	s7 =	ssub.s32 s9, s7;
	s9 =	sshra.s32 @p1 s12, $0x4  }
0x6f: {  	s23 =	smov.u32 s18;
	s18 =	smov.u32 s17;
	p2 =	sne.s32 s9, $0x1  }
.Ltmp3:
0x70: {  	s17 =	smov.u32 s16;
	s16 =	smov.u32 s22;
	(pc) =	sbr.rel @!p2 .LBB2_3-.Ltmp3, $4  }
0x71: {  	s22 =	smov.u32 s15;
	s15 =	smov.u32 s21;
	s21 =	smov.u32 s20  }
0x72: {  	s20 =	rddreg [dreg:$0xd];
	s19 =	sadd.s32 $0x2080, s10;
	s12 =	sshra.s32 s7, $0x2  }
0x73: {  	s7 =	sadd.s32 s14, s5;
	s20 =	sadd.s32 s12, s20;
	v4 =	vld [tilespmem:s19+$0x0]  }
0x74: {  	v1 =	vmov @p1 s8;
	v2 =	vmov @p1 s13;
	p1 =	por $0x0, $0x0;
	s8 =	sadd.s32 $0xFFFFFFFF, s9;
	v3 =	vor.u32 s7, v0;
	v5 =	vld [tilespmem:s20+$0x0]  }
0x75: {  	_ =	sdelay $0x1  }
0x76: {  	vm3 =	vge.s32 v3, v1;
	vm4 =	vlt.s32 v3, v2;
	p3 =	sne.s32 s8, $0x1  }
.Ltmp4:
0x77: {  	vm3 =	vmand vm3, vm4;
	(pc) =	sbr.rel @!p3 .LBB2_5-.Ltmp4, $4  }
0x78: {  	v4 =	vsel vm3, v5, v4  }
0x79: {  	[tilespmem:s19+$0x0] =	vst v4;
	s19 =	sadd.s32 $0x10, s19  }
0x7a: {  	s20 =	sadd.s32 $0x10, s20;
	v4 =	vld [tilespmem:s19+$0x0]  }
0x7b: {  	s14 =	sadd.s32 $0xFFFFFFFF, s8;
	p2 =	por $0x1, $0x1;
	s13 =	smov.u32 s7;
	v5 =	vld [tilespmem:s20+$0x0]  }
.LBB2_6:
0x7c: {  	p3 =	sne.s32 s14, $0x1;
	s13 =	sadd.s32 $0x10, s13  }
0x7d: {  	v6 =	vor.u32 s13, v0  }
0x7e: {  	vm3 =	vge.s32 v6, v1;
	vm4 =	vlt.s32 v6, v2  }
.Ltmp5:
0x7f: {  	vm3 =	vmand vm3, vm4;
	(pc) =	sbr.rel @p3 .LBB2_6-.Ltmp5, $4  }
0x80: {  	v4 =	vsel vm3, v5, v4  }
0x81: {  	[tilespmem:s19+$0x0] =	vst v4;
	s19 =	sadd.s32 $0x10, s19  }
0x82: {  	s20 =	sadd.s32 $0x10, s20;
	v4 =	vld [tilespmem:s19+$0x0]  }
0x83: {  	s14 =	sadd.s32 $0xFFFFFFFF, s14;
	v5 =	vld [tilespmem:s20+$0x0]  }
.LBB2_7:
0x84: {  	s13 =	sadd.s32 @p2 $0x10, s13;
	s14 =	smov.u32 s7  }
0x85: {  	s14 =	smov.u32 @p2 s13  }
0x86: {  	v6 =	vor.u32 s14, v0  }
0x87: {  	vm3 =	vge.s32 v6, v1;
	vm4 =	vlt.s32 v6, v2  }
0x88: {  	vm3 =	vmand vm3, vm4  }
0x89: {  	s20 =	rddreg [dreg:$0xc];
	v4 =	vsel vm3, v5, v4  }
0x8a: {  	p2 =	seq.s32 s9, $0x1;
	s14 =	simm.s32 $0x5;
	[tilespmem:s19+$0x0] =	vst v4;
	s19 =	simm.s32 $0x2080  }
0x8b: {  	[hbm4b:s20+s4] =	stream.linear.scatter [tilespmem:s19], [sflag:$0x8], $0x400, $0x38;
	[tilespmem:$0x3080] =	vst v63  }
.Ltmp6:
0x8c: {  	_ =	swait.ge [sflag:s14], $0x400;
	(pc) =	sbr.rel @p2 .LBB2_8-.Ltmp6, $4  }
0x8d: {  	[sflag:s14] =	ssyncset.done $0x0  }
0x8e: {  	s10 =	sadd.s32 $0x2480, s10;
	s20 =	rddreg [dreg:$0xe];
	[sflag:s14] =	ssyncadd.s32 $0xFFFFFC00  }
0x8f: {  	s12 =	sadd.s32 s12, s20;
	v4 =	vld [tilespmem:s10+$0x0]  }
0x90: {  	s20 =	smov.u32 s21;
	v5 =	vld [tilespmem:s12+$0x0]  }
0x91: {  	_ =	sdelay $0x1  }
0x92: {  	vm3 =	vge.s32 v3, v1;
	vm4 =	vlt.s32 v3, v2;
	p2 =	seq.s32 s8, $0x1  }
.Ltmp7:
0x93: {  	vm3 =	vmand vm3, vm4;
	(pc) =	sbr.rel @p2 .LBB2_10-.Ltmp7, $4  }
0x94: {  	v3 =	vsel vm3, v5, v4  }
0x95: {  	[tilespmem:s10+$0x0] =	vst v3;
	s10 =	sadd.s32 $0x10, s10  }
0x96: {  	s9 =	sadd.s32 $0x10, s12;
	s12 =	sadd.s32 $0xFFFFFFFF, s8;
	v4 =	vld [tilespmem:s10+$0x0]  }
0x97: {  	p1 =	por $0x1, $0x1;
	s8 =	smov.u32 s7;
	s21 =	smov.u32 s15;
	v5 =	vld [tilespmem:s9+$0x0]  }
.LBB2_11:
0x98: {  	p2 =	seq.s32 s12, $0x1;
	s8 =	sadd.s32 $0x10, s8  }
0x99: {  	v3 =	vor.u32 s8, v0  }
0x9a: {  	vm3 =	vge.s32 v3, v1;
	vm4 =	vlt.s32 v3, v2  }
.Ltmp8:
0x9b: {  	vm3 =	vmand vm3, vm4;
	(pc) =	sbr.rel @!p2 .LBB2_11-.Ltmp8, $4  }
0x9c: {  	v3 =	vsel vm3, v5, v4  }
0x9d: {  	[tilespmem:s10+$0x0] =	vst v3;
	s10 =	sadd.s32 $0x10, s10  }
0x9e: {  	s9 =	sadd.s32 $0x10, s9;
	v4 =	vld [tilespmem:s10+$0x0]  }
0x9f: {  	s12 =	sadd.s32 $0xFFFFFFFF, s12;
	v5 =	vld [tilespmem:s9+$0x0]  }
0xa0: {  	s15 =	smov.u32 s22  }
.LBB2_13:
0xa1: {  	s8 =	sadd.s32 @p1 $0x10, s8  }
0xa2: {  	s7 =	smov.u32 @p1 s8  }
.Ltmp9:
0xa3: {  	v3 =	vor.u32 s7, v0;
	(pc) =	sbr.rel .LBB2_15-.Ltmp9, $4  }
0xa4: {  	vm3 =	vge.s32 v3, v1;
	vm4 =	vlt.s32 v3, v2  }
0xa5: {  	s22 =	smov.u32 s16;
	vm3 =	vmand vm3, vm4  }
0xa6: {  	s16 =	smov.u32 s17;
	s17 =	smov.u32 s18;
	s18 =	smov.u32 s23;
	v1 =	vsel vm3, v5, v4  }
0xa7: {  	s23 =	smov.u32 s29;
	s29 =	smov.u32 s30;
	s30 =	simm.s32 $0x2480;
	[tilespmem:s10+$0x0] =	vst v1  }
.LBB2_14:
0xa8: {  	s7 =	rddreg [dreg:$0xc];
	s14 =	simm.s32 $0x5  }
0xa9: {  	[hbm4b:s7+s4] =	stream.linear.scatter [tilespmem:s19], [sflag:$0x8], $0x400, $0x38;
	[tilespmem:$0x3080] =	vst v63  }
0xaa: {  	_ =	swait.ge [sflag:s14], $0x400  }
0xab: {  	[sflag:s14] =	ssyncset.done $0x0  }
0xac: {  	[sflag:s14] =	ssyncadd.s32 $0xFFFFFC00  }
.LBB2_15:
0xad: {  	[hbm4b:s17+s4] =	stream.linear.scatter [tilespmem:s30], [sflag:$0x9], $0x400, $0x38;
	[tilespmem:$0x3080] =	vst v63  }
0xae: {  	s7 =	ssub.s32 @p0 s26, s5  }
0xaf: {  	p1 =	sgt.s32 @p0 s7, $0x0  }
0xb0: {  	p1 =	por !p1, !p0  }
0xb1: {  	p2 =	slt.s32 @p0 s7, $0x1;
	s7 =	simm.s32 @p1 $0x0  }
0xb2: {  	s8 =	sand.u32 @p0 $0xF, s7  }
0xb3: {  	p1 =	sne.s32 @p0 s8, $0x0  }
0xb4: {  	p1 =	por @p0 !p2, !p1  }
0xb5: {  	p1 =	por @p0 !p1, !p1  }
0xb6: {  	s8 =	simm.s32 @p0 $0xFFFFFFFF;
	p1 =	por !p1, !p0  }
0xb7: {  	s9 =	ssub.s32 @p0 s28, s5;
	s8 =	simm.s32 @p1 $0x0  }
0xb8: {  	p1 =	slt.s32 @p0 s9, $0x400;
	s8 =	sshll.u32 @p0 s8, $0x4  }
0xb9: {  	p1 =	por !p1, !p0;
	s8 =	sadd.s32 @p0 s7, s8  }
0xba: {  	s9 =	simm.s32 @p1 $0x400;
	s7 =	sand.u32 @p0 $0xFFFFFFF0, s8  }
0xbb: {  	s9 =	ssub.s32 @p0 s9, s7  }
0xbc: {  	s10 =	sadd.s32 @p0 $0xF, s9  }
0xbd: {  	s9 =	sor.u32 @p0 $0xF, s10  }
0xbe: {  	p1 =	slt.s32 @p0 s9, $0x10  }
0xbf: {  	p1 =	por !p0, p1  }
.Ltmp10:
0xc0: {  	_ = 	snop;
	(pc) =	sbr.rel @p1 .LBB2_28-.Ltmp10, $4  }
0xc1: {  	s12 =	simm.s32 $0x6  }
0xc2: {  	_ =	swait.ge [sflag:s12], $0x400  }
0xc3: {  	[sflag:s12] =	ssyncset.done $0x0  }
0xc4: {  	[sflag:s12] =	ssyncadd.s32 $0xFFFFFC00  }
0xc5: {  	s10 =	sshra.s32 @p0 s10, $0x1F  }
0xc6: {  	s8 =	sshll.u32 s8, $0x2;
	s10 =	sshrl.u32 @p0 s10, $0x1C  }
0xc7: {  	s6 =	sshll.u32 s6, $0x2;
	s8 =	sand.u32 $0xFFFFFFC0, s8;
	s10 =	sadd.s32 @p0 s10, s9  }
0xc8: {  	s9 =	sshra.s32 s8, $0x2;
	s6 =	ssub.s32 s8, s6;
	s8 =	sshra.s32 @p0 s10, $0x4  }
0xc9: {  	p1 =	sne.s32 s8, $0x1  }
.Ltmp11:
0xca: {  	_ = 	snop;
	(pc) =	sbr.rel @!p1 .LBB2_17-.Ltmp11, $4  }
0xcb: {  	_ = 	snop  }
0xcc: {  	s14 =	rddreg [dreg:$0xd];
	s12 =	sadd.s32 $0x2880, s9;
	s10 =	sshra.s32 s6, $0x2  }
0xcd: {  	s6 =	sadd.s32 s7, s5;
	s13 =	sadd.s32 s10, s14;
	v4 =	vld [tilespmem:s12+$0x0]  }
0xce: {  	v1 =	vmov @p0 s26;
	v2 =	vmov @p0 s28;
	p0 =	por $0x0, $0x0;
	s7 =	sadd.s32 $0xFFFFFFFF, s8;
	v3 =	vor.u32 s6, v0;
	v5 =	vld [tilespmem:s13+$0x0]  }
0xcf: {  	_ =	sdelay $0x1  }
0xd0: {  	vm3 =	vge.s32 v3, v1;
	vm4 =	vlt.s32 v3, v2;
	p2 =	sne.s32 s7, $0x1  }
.Ltmp12:
0xd1: {  	vm3 =	vmand vm3, vm4;
	(pc) =	sbr.rel @!p2 .LBB2_19-.Ltmp12, $4  }
0xd2: {  	v4 =	vsel vm3, v5, v4  }
0xd3: {  	[tilespmem:s12+$0x0] =	vst v4;
	s12 =	sadd.s32 $0x10, s12  }
0xd4: {  	s19 =	sadd.s32 $0x10, s13;
	v4 =	vld [tilespmem:s12+$0x0]  }
0xd5: {  	s14 =	sadd.s32 $0xFFFFFFFF, s7;
	p1 =	por $0x1, $0x1;
	s13 =	smov.u32 s6;
	v5 =	vld [tilespmem:s19+$0x0]  }
.LBB2_20:
0xd6: {  	p2 =	sne.s32 s14, $0x1;
	s13 =	sadd.s32 $0x10, s13  }
0xd7: {  	v6 =	vor.u32 s13, v0  }
0xd8: {  	vm3 =	vge.s32 v6, v1;
	vm4 =	vlt.s32 v6, v2  }
.Ltmp13:
0xd9: {  	vm3 =	vmand vm3, vm4;
	(pc) =	sbr.rel @p2 .LBB2_20-.Ltmp13, $4  }
0xda: {  	v4 =	vsel vm3, v5, v4  }
0xdb: {  	[tilespmem:s12+$0x0] =	vst v4;
	s12 =	sadd.s32 $0x10, s12  }
0xdc: {  	s19 =	sadd.s32 $0x10, s19;
	v4 =	vld [tilespmem:s12+$0x0]  }
0xdd: {  	s14 =	sadd.s32 $0xFFFFFFFF, s14;
	v5 =	vld [tilespmem:s19+$0x0]  }
0xde: {  	s19 =	simm.s32 $0x2080;
	s26 =	simm.s32 $0x2880;
	s28 =	simm.s32 $0x2C80  }
.LBB2_22:
0xdf: {  	s13 =	sadd.s32 @p1 $0x10, s13;
	s14 =	smov.u32 s6  }
0xe0: {  	s14 =	smov.u32 @p1 s13  }
0xe1: {  	v6 =	vor.u32 s14, v0  }
0xe2: {  	vm3 =	vge.s32 v6, v1;
	vm4 =	vlt.s32 v6, v2  }
0xe3: {  	vm3 =	vmand vm3, vm4  }
0xe4: {  	v4 =	vsel vm3, v5, v4  }
0xe5: {  	p1 =	seq.s32 s8, $0x1;
	[tilespmem:s12+$0x0] =	vst v4  }
0xe6: {  	[hbm4b:s18+s4] =	stream.linear.scatter [tilespmem:s26], [sflag:$0xA], $0x400, $0x38;
	[tilespmem:$0x3080] =	vst v63  }
.Ltmp14:
0xe7: {  	_ =	swait.ge [sflag:s2], $0x400;
	(pc) =	sbr.rel @p1 .LBB2_23-.Ltmp14, $4  }
0xe8: {  	[sflag:s2] =	ssyncset.done $0x0  }
0xe9: {  	s9 =	sadd.s32 $0x2C80, s9;
	s14 =	rddreg [dreg:$0xe];
	[sflag:s2] =	ssyncadd.s32 $0xFFFFFC00  }
0xea: {  	s10 =	sadd.s32 s10, s14;
	v4 =	vld [tilespmem:s9+$0x0]  }
0xeb: {  	v5 =	vld [tilespmem:s10+$0x0]  }
0xec: {  	_ =	sdelay $0x1  }
0xed: {  	vm3 =	vge.s32 v3, v1;
	vm4 =	vlt.s32 v3, v2;
	p1 =	seq.s32 s7, $0x1  }
.Ltmp15:
0xee: {  	vm3 =	vmand vm3, vm4;
	(pc) =	sbr.rel @p1 .LBB2_25-.Ltmp15, $4  }
0xef: {  	v3 =	vsel vm3, v5, v4  }
0xf0: {  	[tilespmem:s9+$0x0] =	vst v3;
	s9 =	sadd.s32 $0x10, s9  }
0xf1: {  	s8 =	sadd.s32 $0x10, s10;
	v4 =	vld [tilespmem:s9+$0x0]  }
0xf2: {  	s10 =	sadd.s32 $0xFFFFFFFF, s7;
	p0 =	por $0x1, $0x1;
	s7 =	smov.u32 s6;
	v5 =	vld [tilespmem:s8+$0x0]  }
.LBB2_26:
0xf3: {  	p1 =	seq.s32 s10, $0x1;
	s7 =	sadd.s32 $0x10, s7  }
0xf4: {  	v3 =	vor.u32 s7, v0  }
0xf5: {  	vm3 =	vge.s32 v3, v1;
	vm4 =	vlt.s32 v3, v2  }
.Ltmp16:
0xf6: {  	vm3 =	vmand vm3, vm4;
	(pc) =	sbr.rel @!p1 .LBB2_26-.Ltmp16, $4  }
0xf7: {  	v3 =	vsel vm3, v5, v4  }
0xf8: {  	[tilespmem:s9+$0x0] =	vst v3;
	s9 =	sadd.s32 $0x10, s9  }
0xf9: {  	s8 =	sadd.s32 $0x10, s8;
	v4 =	vld [tilespmem:s9+$0x0]  }
0xfa: {  	s10 =	sadd.s32 $0xFFFFFFFF, s10;
	v5 =	vld [tilespmem:s8+$0x0]  }
.LBB2_27:
0xfb: {  	s7 =	sadd.s32 @p0 $0x10, s7  }
0xfc: {  	s6 =	smov.u32 @p0 s7  }
.Ltmp17:
0xfd: {  	v3 =	vor.u32 s6, v0;
	(pc) =	sbr.rel .LBB2_29-.Ltmp17, $4  }
0xfe: {  	vm3 =	vge.s32 v3, v1;
	vm4 =	vlt.s32 v3, v2  }
0xff: {  	vm3 =	vmand vm3, vm4  }
0x100: {  	v1 =	vsel vm3, v5, v4  }
0x101: {  	[tilespmem:s9+$0x0] =	vst v1  }
.LBB2_3:
.Ltmp18:
0x102: {  	(pc) =	sbr.rel .LBB2_7-.Ltmp18, $2  }
0x103: {  	_ =	sdelay $0x2  }
0x104: {  	s13 =	smov.u32 s7;
	p2 =	por $0x0, $0x0  }
.LBB2_8:
.Ltmp19:
0x105: {  	(pc) =	sbr.rel .LBB2_13-.Ltmp19, $2  }
0x106: {  	_ =	sdelay $0x2  }
0x107: {  	s8 =	smov.u32 s7;
	s21 =	smov.u32 s15;
	s15 =	smov.u32 s22  }
.LBB2_17:
.Ltmp20:
0x108: {  	(pc) =	sbr.rel .LBB2_22-.Ltmp20, $3  }
0x109: {  	_ =	sdelay $0x1  }
0x10a: {  	s13 =	smov.u32 s6  }
0x10b: {  	p1 =	por $0x0, $0x0;
	s26 =	simm.s32 $0x2880;
	s28 =	simm.s32 $0x2C80  }
.LBB2_23:
.Ltmp21:
0x10c: {  	(pc) =	sbr.rel .LBB2_27-.Ltmp21, $2  }
0x10d: {  	_ =	sdelay $0x2  }
0x10e: {  	s7 =	smov.u32 s6  }
.LBB2_5:
.Ltmp22:
0x10f: {  	(pc) =	sbr.rel .LBB2_7-.Ltmp22, $2  }
0x110: {  	_ =	sdelay $0x2  }
0x111: {  	s13 =	smov.u32 s7  }
.LBB2_10:
.Ltmp23:
0x112: {  	(pc) =	sbr.rel .LBB2_13-.Ltmp23, $2  }
0x113: {  	_ =	sdelay $0x2  }
0x114: {  	s8 =	smov.u32 s7;
	s15 =	smov.u32 s22  }
.LBB2_19:
.Ltmp24:
0x115: {  	(pc) =	sbr.rel .LBB2_22-.Ltmp24, $3  }
0x116: {  	_ =	sdelay $0x1  }
0x117: {  	s13 =	smov.u32 s6  }
0x118: {  	s19 =	simm.s32 $0x2080;
	s26 =	simm.s32 $0x2880;
	s28 =	simm.s32 $0x2C80  }
.LBB2_25:
.Ltmp25:
0x119: {  	(pc) =	sbr.rel .LBB2_27-.Ltmp25, $2  }
0x11a: {  	_ =	sdelay $0x2  }
0x11b: {  	s7 =	smov.u32 s6  }
.LBB2_30:
0x11c: {  	_ =	sfence.sel $0x180000  }
0x11d: {  	[bflag:$0x0] =	sbarrier.arrive $0xFFFF  }
0x11e: {  	_ =	strace $0x90000047  }
0x11f: {  	s0 =	stileid.u32;
	[bflag:$0x2] =	sbarrier.arrive $0xFFFF  }
0x120: {  	p0 =	sne.s32 s0, $0x0;
	s0 =	rddreg [dreg:$0xb]  }
0x121: {  	s0 =	sadd.s32 @!p0 $0x100000, s0  }
0x122: {  	[sflag:s0] =	ssyncadd.tile.s32 @!p0 $0x1;
	_ =	shalt  }
.Lfunc_end2:
_tile_overlayer_lowered:
.L_overlay_start_2:
0x123: {  	(tag) =	ssettag $0x2  }
0x124: {  	s0 =	rddreg [dreg:$0x0];
	s2 =	stileid.u32  }
0x125: {  	s1 =	rddreg [dreg:$0x1];
	p0 =	sne.s32 s2, $0x0  }
0x126: {  	s3 =	rddreg [dreg:$0x2];
	[bflag:$0x3] =	sbarrier.arrive $0xFFFF;
	s2 =	simm.s32 @!p0 $0x1C0C  }
0x127: {  	[timem:s3], [sflag:s2] =	dma.local @!p0 [hbm:s0], s1  }
0x128: {  	s0 =	simm.s32 @!p0 $0xC  }
0x129: {  	_ =	swait.ge @!p0 [sflag:s0], s1  }
0x12a: {  	s1 =	ssub.s32 @!p0 $0x0, s1;
	[sflag:s0] =	ssyncset.done @!p0 $0x0  }
0x12b: {  	[sflag:s0] =	ssyncadd.s32 @!p0 s1  }
0x12c: {  	[bflag:$0x3] =	sbarrier.arrive $0xFFFF  }
0x12d: {  	_ =	shalt  }

</sc_bundles>
